<compile_context>
chip_gen: v7x
topology: tpu7x:2x2x1
jax: 0.10.2.dev20260603
libtpu: 0.0.44.dev20260713+nightly
codegen_flags: <defaults>
</compile_context>

<pallas_src>
import jax
import jax.numpy as jnp
from jax import lax
from jax.experimental import pallas as pl
from jax.experimental.pallas import tpu as pltpu
from jax.experimental.pallas import tpu_sc as plsc

VOCAB = 1000000
D = 64
B = 4096
T = 50

_info = plsc.get_sparse_core_info()
NC, NS = _info.num_cores, _info.num_subcores
NW = NC * NS

ROWS_PER_W = B // NW
NBUF = 8
OUTER = ROWS_PER_W // NBUF


def _gather_kernel(table_hbm, idx_hbm, out_hbm, idx_v, rows_v, gsem, ssem):
    wid = lax.axis_index("s") * NC + lax.axis_index("c")
    base = wid * ROWS_PER_W
    pltpu.sync_copy(idx_hbm.at[pl.ds(base, ROWS_PER_W)], idx_v)

    def body(o, carry):
        j0 = o * NBUF
        gd = [
            pltpu.async_copy(
                table_hbm.at[idx_v.at[j0 + b]],
                rows_v.at[b],
                gsem.at[b],
            )
            for b in range(NBUF)
        ]
        sd = []
        for b in range(NBUF):
            gd[b].wait()
            sd.append(
                pltpu.async_copy(
                    rows_v.at[b],
                    out_hbm.at[base + j0 + b, pl.ds(0, T), pl.ds(0, D)],
                    ssem.at[b],
                )
            )
        for b in range(NBUF):
            sd[b].wait()
        return carry

    lax.fori_loop(0, OUTER, body, 0)


def _run(tokens, embed_table):
    mesh = plsc.VectorSubcoreMesh(core_axis_name="c", subcore_axis_name="s")
    k = pl.kernel(
        _gather_kernel,
        mesh=mesh,
        out_type=jax.ShapeDtypeStruct((B, 56, 128), jnp.float32),
        scratch_types=[
            pltpu.VMEM((ROWS_PER_W, T), jnp.int32),
            pltpu.VMEM((NBUF, T, D), jnp.float32),
            pltpu.SemaphoreType.DMA((NBUF,)),
            pltpu.SemaphoreType.DMA((NBUF,)),
        ],
        compiler_params=pltpu.CompilerParams(use_tc_tiling_on_sc=False),
    )
    return k(embed_table, tokens)


def kernel(tokens_or_embeds, embed_table):
    out_padded = _run(tokens_or_embeds, embed_table)
    return out_padded[:, :T, :D]

# --- scband reference (transcript-rebuilt; emitter-appended) ---
"""Pipeline reference for scband-embedding-projection-4698694221826 (READ-ONLY COPY).

The authoritative reference and input builder live on the scoring server;
editing this copy changes nothing except your own understanding.
"""

import jax, jax.numpy as jnp
import numpy as np

VOCAB = 1000000
D = 64

def setup_inputs(seed: int = 0) -> dict:
    key = jax.random.key(seed)
    k1, k2 = jax.random.split(key)
    tokens = jax.random.randint(k1, (4096, 50), 0, VOCAB, dtype=jnp.int32)
    embed_table = jax.random.normal(k2, (VOCAB, D), dtype=jnp.float32) * 0.02
    return {"tokens_or_embeds": tokens, "embed_table": embed_table}

def reference(tokens_or_embeds, embed_table):
    # use_embedding_table=True -> nn.Embedding lookup
    x = jnp.take(embed_table, tokens_or_embeds, axis=0)
    # D == Dproj -> proj is nn.Identity()
    x_proj = x
    return x_proj

if __name__ == "__main__":
    import jax
    _d = setup_inputs()
    print(jax.jit(kernel)(*tuple(_d.values())))

</pallas_src>

<mosaic_0001>
#map = affine_map<(d0, d1) -> (0, 0)>
#map1 = affine_map<(d0, d1) -> (0, 0, 0)>
module attributes {stable_mosaic.version = 14 : i64} {
  func.func @_gather_kernel(%arg0: i32, %arg1: i32, %arg2: memref<1000000x64xf32, #tpu.memory_space<hbm>>, %arg3: memref<4096x50xi32, #tpu.memory_space<hbm>>, %arg4: memref<4096x56x128xf32, #tpu.memory_space<hbm>>, %arg5: memref<128x50xi32, #tpu.memory_space<vmem>>, %arg6: memref<8x50x64xf32, #tpu.memory_space<vmem>>, %arg7: memref<8x!tpu.dma_semaphore, #tpu.memory_space<semaphore_mem>>, %arg8: memref<8x!tpu.dma_semaphore, #tpu.memory_space<semaphore_mem>>) attributes {dimension_semantics = [#tpu.dimension_semantics<core_parallel>, #tpu.dimension_semantics<subcore_parallel>], iteration_bounds = array<i64: 2, 16>, scalar_prefetch = 0 : i64, scratch_operands = 4 : i64, tpu.core_type = #tpu.core_type<sc_vector_subcore>, window_params = [{transform_indices = #map}, {transform_indices = #map}, {transform_indices = #map1}]} {
    %mul3A = arith.constant 2 : i32
    %mul3A_0 = arith.muli %arg1, %mul3A : i32
    %add3A = arith.addi %mul3A_0, %arg0 : i32
    %mul3A_1 = arith.constant 128 : i32
    %mul3A_2 = arith.muli %add3A, %mul3A_1 : i32
    "tpu.region"() ({
      %run_scoped3A = tpu.sem_alloc : memref<!tpu.dma_semaphore, #tpu.memory_space<semaphore_mem>>
      %dma_start3A = arith.constant 0 : i32
      %dma_start3A_8 = tpu.memref_slice %arg3[%mul3A_2, %dma_start3A] : memref<4096x50xi32, #tpu.memory_space<hbm>> -> memref<128x50xi32, #tpu.memory_space<hbm>>
      %dma_start3A_9 = arith.constant 0 : i32
      %dma_start3A_10 = tpu.memref_slice %arg3[%mul3A_2, %dma_start3A_9] : memref<4096x50xi32, #tpu.memory_space<hbm>> -> memref<128x50xi32, #tpu.memory_space<hbm>>
      tpu.enqueue_dma source(%dma_start3A_10 : memref<128x50xi32, #tpu.memory_space<hbm>>) target(%arg5 : memref<128x50xi32, #tpu.memory_space<vmem>>) target_semaphore(%run_scoped3A : memref<!tpu.dma_semaphore, #tpu.memory_space<semaphore_mem>>)
      %dma_wait3A = arith.constant 0 : i32
      %dma_wait3A_11 = tpu.memref_slice %arg3[%mul3A_2, %dma_wait3A] : memref<4096x50xi32, #tpu.memory_space<hbm>> -> memref<128x50xi32, #tpu.memory_space<hbm>>
      %dma_wait3A_12 = arith.constant 0 : i32
      %dma_wait3A_13 = tpu.memref_slice %arg3[%mul3A_2, %dma_wait3A_12] : memref<4096x50xi32, #tpu.memory_space<hbm>> -> memref<128x50xi32, #tpu.memory_space<hbm>>
      tpu.wait_dma2 semaphore(%run_scoped3A : memref<!tpu.dma_semaphore, #tpu.memory_space<semaphore_mem>>) src(%dma_wait3A_13 : memref<128x50xi32, #tpu.memory_space<hbm>>) dst(%arg5 : memref<128x50xi32, #tpu.memory_space<vmem>>)
      tpu.yield
    }) : () -> ()
    %scan3A = arith.constant 0 : i32
    %scan3A_3 = arith.constant 0 : i32
    %scan3A_4 = arith.constant 16 : i32
    %scan3A_5 = arith.addi %scan3A_3, %scan3A_4 : i32
    %scan3A_6 = arith.constant 1 : i32
    scf.for %scan3A_8 = %scan3A_3 to %scan3A_5 step %scan3A_6  : i32 {
      %mul3A_9 = arith.constant 8 : i32
      %mul3A_10 = arith.muli %scan3A_8, %mul3A_9 : i32
      %add3A_11 = arith.constant 0 : i32
      %add3A_12 = arith.addi %mul3A_10, %add3A_11 : i32
      %dma_start3A = arith.constant 0 : i32
      %dma_start3A_13 = arith.constant 0 : i32
      %dma_start3A_14 = arith.constant 0 : i32
      %dma_start3A_15 = arith.constant 0 : i32
      %dma_start3A_16 = tpu.memref_slice %arg6[%dma_start3A, %dma_start3A_14, %dma_start3A_15] : memref<8x50x64xf32, #tpu.memory_space<vmem>> -> memref<1x50x64xf32, #tpu.memory_space<vmem>>
      %dma_start3A_17 = tpu.memref_squeeze %dma_start3A_16 : memref<1x50x64xf32, #tpu.memory_space<vmem>> -> memref<50x64xf32, #tpu.memory_space<vmem>>
      %dma_start3A_18 = arith.constant 0 : i32
      %dma_start3A_19 = tpu.memref_slice %arg5[%add3A_12, %dma_start3A_18] : memref<128x50xi32, #tpu.memory_space<vmem>> -> memref<1x50xi32, #tpu.memory_space<vmem>>
      %dma_start3A_20 = tpu.memref_squeeze %dma_start3A_19 : memref<1x50xi32, #tpu.memory_space<vmem>> -> memref<50xi32, #tpu.memory_space<vmem>>
      %dma_start3A_21 = arith.constant 0 : i32
      %dma_start3A_22 = arith.constant 0 : i32
      %dma_start3A_23 = tpu.memref_slice %arg2[%dma_start3A_21, %dma_start3A_22] : memref<1000000x64xf32, #tpu.memory_space<hbm>> -> memref<1000000x64xf32, #tpu.memory_space<hbm>>
      %dma_start3A_24 = tpu.memref_slice %arg7[%dma_start3A_13] : memref<8x!tpu.dma_semaphore, #tpu.memory_space<semaphore_mem>> -> memref<1x!tpu.dma_semaphore, #tpu.memory_space<semaphore_mem>>
      %dma_start3A_25 = tpu.memref_squeeze %dma_start3A_24 : memref<1x!tpu.dma_semaphore, #tpu.memory_space<semaphore_mem>> -> memref<!tpu.dma_semaphore, #tpu.memory_space<semaphore_mem>>
      tpu.enqueue_indirect_dma source(%dma_start3A_23 : memref<1000000x64xf32, #tpu.memory_space<hbm>>) target(%dma_start3A_17 : memref<50x64xf32, #tpu.memory_space<vmem>>) offsets(%dma_start3A_20 : memref<50xi32, #tpu.memory_space<vmem>>) semaphore(%dma_start3A_25 : memref<!tpu.dma_semaphore, #tpu.memory_space<semaphore_mem>>)
      %add3A_26 = arith.constant 1 : i32
      %add3A_27 = arith.addi %mul3A_10, %add3A_26 : i32
      %dma_start3A_28 = arith.constant 1 : i32
      %dma_start3A_29 = arith.constant 1 : i32
      %dma_start3A_30 = arith.constant 0 : i32
      %dma_start3A_31 = arith.constant 0 : i32
      %dma_start3A_32 = tpu.memref_slice %arg6[%dma_start3A_28, %dma_start3A_30, %dma_start3A_31] : memref<8x50x64xf32, #tpu.memory_space<vmem>> -> memref<1x50x64xf32, #tpu.memory_space<vmem>>
      %dma_start3A_33 = tpu.memref_squeeze %dma_start3A_32 : memref<1x50x64xf32, #tpu.memory_space<vmem>> -> memref<50x64xf32, #tpu.memory_space<vmem>>
      %dma_start3A_34 = arith.constant 0 : i32
      %dma_start3A_35 = tpu.memref_slice %arg5[%add3A_27, %dma_start3A_34] : memref<128x50xi32, #tpu.memory_space<vmem>> -> memref<1x50xi32, #tpu.memory_space<vmem>>
      %dma_start3A_36 = tpu.memref_squeeze %dma_start3A_35 : memref<1x50xi32, #tpu.memory_space<vmem>> -> memref<50xi32, #tpu.memory_space<vmem>>
      %dma_start3A_37 = arith.constant 0 : i32
      %dma_start3A_38 = arith.constant 0 : i32
      %dma_start3A_39 = tpu.memref_slice %arg2[%dma_start3A_37, %dma_start3A_38] : memref<1000000x64xf32, #tpu.memory_space<hbm>> -> memref<1000000x64xf32, #tpu.memory_space<hbm>>
      %dma_start3A_40 = tpu.memref_slice %arg7[%dma_start3A_29] : memref<8x!tpu.dma_semaphore, #tpu.memory_space<semaphore_mem>> -> memref<1x!tpu.dma_semaphore, #tpu.memory_space<semaphore_mem>>
      %dma_start3A_41 = tpu.memref_squeeze %dma_start3A_40 : memref<1x!tpu.dma_semaphore, #tpu.memory_space<semaphore_mem>> -> memref<!tpu.dma_semaphore, #tpu.memory_space<semaphore_mem>>
      tpu.enqueue_indirect_dma source(%dma_start3A_39 : memref<1000000x64xf32, #tpu.memory_space<hbm>>) target(%dma_start3A_33 : memref<50x64xf32, #tpu.memory_space<vmem>>) offsets(%dma_start3A_36 : memref<50xi32, #tpu.memory_space<vmem>>) semaphore(%dma_start3A_41 : memref<!tpu.dma_semaphore, #tpu.memory_space<semaphore_mem>>)
      %add3A_42 = arith.constant 2 : i32
      %add3A_43 = arith.addi %mul3A_10, %add3A_42 : i32
      %dma_start3A_44 = arith.constant 2 : i32
      %dma_start3A_45 = arith.constant 2 : i32
      %dma_start3A_46 = arith.constant 0 : i32
      %dma_start3A_47 = arith.constant 0 : i32
      %dma_start3A_48 = tpu.memref_slice %arg6[%dma_start3A_44, %dma_start3A_46, %dma_start3A_47] : memref<8x50x64xf32, #tpu.memory_space<vmem>> -> memref<1x50x64xf32, #tpu.memory_space<vmem>>
      %dma_start3A_49 = tpu.memref_squeeze %dma_start3A_48 : memref<1x50x64xf32, #tpu.memory_space<vmem>> -> memref<50x64xf32, #tpu.memory_space<vmem>>
      %dma_start3A_50 = arith.constant 0 : i32
      %dma_start3A_51 = tpu.memref_slice %arg5[%add3A_43, %dma_start3A_50] : memref<128x50xi32, #tpu.memory_space<vmem>> -> memref<1x50xi32, #tpu.memory_space<vmem>>
      %dma_start3A_52 = tpu.memref_squeeze %dma_start3A_51 : memref<1x50xi32, #tpu.memory_space<vmem>> -> memref<50xi32, #tpu.memory_space<vmem>>
      %dma_start3A_53 = arith.constant 0 : i32
      %dma_start3A_54 = arith.constant 0 : i32
      %dma_start3A_55 = tpu.memref_slice %arg2[%dma_start3A_53, %dma_start3A_54] : memref<1000000x64xf32, #tpu.memory_space<hbm>> -> memref<1000000x64xf32, #tpu.memory_space<hbm>>
      %dma_start3A_56 = tpu.memref_slice %arg7[%dma_start3A_45] : memref<8x!tpu.dma_semaphore, #tpu.memory_space<semaphore_mem>> -> memref<1x!tpu.dma_semaphore, #tpu.memory_space<semaphore_mem>>
      %dma_start3A_57 = tpu.memref_squeeze %dma_start3A_56 : memref<1x!tpu.dma_semaphore, #tpu.memory_space<semaphore_mem>> -> memref<!tpu.dma_semaphore, #tpu.memory_space<semaphore_mem>>
      tpu.enqueue_indirect_dma source(%dma_start3A_55 : memref<1000000x64xf32, #tpu.memory_space<hbm>>) target(%dma_start3A_49 : memref<50x64xf32, #tpu.memory_space<vmem>>) offsets(%dma_start3A_52 : memref<50xi32, #tpu.memory_space<vmem>>) semaphore(%dma_start3A_57 : memref<!tpu.dma_semaphore, #tpu.memory_space<semaphore_mem>>)
      %add3A_58 = arith.constant 3 : i32
      %add3A_59 = arith.addi %mul3A_10, %add3A_58 : i32
      %dma_start3A_60 = arith.constant 3 : i32
      %dma_start3A_61 = arith.constant 3 : i32
      %dma_start3A_62 = arith.constant 0 : i32
      %dma_start3A_63 = arith.constant 0 : i32
      %dma_start3A_64 = tpu.memref_slice %arg6[%dma_start3A_60, %dma_start3A_62, %dma_start3A_63] : memref<8x50x64xf32, #tpu.memory_space<vmem>> -> memref<1x50x64xf32, #tpu.memory_space<vmem>>
      %dma_start3A_65 = tpu.memref_squeeze %dma_start3A_64 : memref<1x50x64xf32, #tpu.memory_space<vmem>> -> memref<50x64xf32, #tpu.memory_space<vmem>>
      %dma_start3A_66 = arith.constant 0 : i32
      %dma_start3A_67 = tpu.memref_slice %arg5[%add3A_59, %dma_start3A_66] : memref<128x50xi32, #tpu.memory_space<vmem>> -> memref<1x50xi32, #tpu.memory_space<vmem>>
      %dma_start3A_68 = tpu.memref_squeeze %dma_start3A_67 : memref<1x50xi32, #tpu.memory_space<vmem>> -> memref<50xi32, #tpu.memory_space<vmem>>
      %dma_start3A_69 = arith.constant 0 : i32
      %dma_start3A_70 = arith.constant 0 : i32
      %dma_start3A_71 = tpu.memref_slice %arg2[%dma_start3A_69, %dma_start3A_70] : memref<1000000x64xf32, #tpu.memory_space<hbm>> -> memref<1000000x64xf32, #tpu.memory_space<hbm>>
      %dma_start3A_72 = tpu.memref_slice %arg7[%dma_start3A_61] : memref<8x!tpu.dma_semaphore, #tpu.memory_space<semaphore_mem>> -> memref<1x!tpu.dma_semaphore, #tpu.memory_space<semaphore_mem>>
      %dma_start3A_73 = tpu.memref_squeeze %dma_start3A_72 : memref<1x!tpu.dma_semaphore, #tpu.memory_space<semaphore_mem>> -> memref<!tpu.dma_semaphore, #tpu.memory_space<semaphore_mem>>
      tpu.enqueue_indirect_dma source(%dma_start3A_71 : memref<1000000x64xf32, #tpu.memory_space<hbm>>) target(%dma_start3A_65 : memref<50x64xf32, #tpu.memory_space<vmem>>) offsets(%dma_start3A_68 : memref<50xi32, #tpu.memory_space<vmem>>) semaphore(%dma_start3A_73 : memref<!tpu.dma_semaphore, #tpu.memory_space<semaphore_mem>>)
      %add3A_74 = arith.constant 4 : i32
      %add3A_75 = arith.addi %mul3A_10, %add3A_74 : i32
      %dma_start3A_76 = arith.constant 4 : i32
      %dma_start3A_77 = arith.constant 4 : i32
      %dma_start3A_78 = arith.constant 0 : i32
      %dma_start3A_79 = arith.constant 0 : i32
      %dma_start3A_80 = tpu.memref_slice %arg6[%dma_start3A_76, %dma_start3A_78, %dma_start3A_79] : memref<8x50x64xf32, #tpu.memory_space<vmem>> -> memref<1x50x64xf32, #tpu.memory_space<vmem>>
      %dma_start3A_81 = tpu.memref_squeeze %dma_start3A_80 : memref<1x50x64xf32, #tpu.memory_space<vmem>> -> memref<50x64xf32, #tpu.memory_space<vmem>>
      %dma_start3A_82 = arith.constant 0 : i32
      %dma_start3A_83 = tpu.memref_slice %arg5[%add3A_75, %dma_start3A_82] : memref<128x50xi32, #tpu.memory_space<vmem>> -> memref<1x50xi32, #tpu.memory_space<vmem>>
      %dma_start3A_84 = tpu.memref_squeeze %dma_start3A_83 : memref<1x50xi32, #tpu.memory_space<vmem>> -> memref<50xi32, #tpu.memory_space<vmem>>
      %dma_start3A_85 = arith.constant 0 : i32
      %dma_start3A_86 = arith.constant 0 : i32
      %dma_start3A_87 = tpu.memref_slice %arg2[%dma_start3A_85, %dma_start3A_86] : memref<1000000x64xf32, #tpu.memory_space<hbm>> -> memref<1000000x64xf32, #tpu.memory_space<hbm>>
      %dma_start3A_88 = tpu.memref_slice %arg7[%dma_start3A_77] : memref<8x!tpu.dma_semaphore, #tpu.memory_space<semaphore_mem>> -> memref<1x!tpu.dma_semaphore, #tpu.memory_space<semaphore_mem>>
      %dma_start3A_89 = tpu.memref_squeeze %dma_start3A_88 : memref<1x!tpu.dma_semaphore, #tpu.memory_space<semaphore_mem>> -> memref<!tpu.dma_semaphore, #tpu.memory_space<semaphore_mem>>
      tpu.enqueue_indirect_dma source(%dma_start3A_87 : memref<1000000x64xf32, #tpu.memory_space<hbm>>) target(%dma_start3A_81 : memref<50x64xf32, #tpu.memory_space<vmem>>) offsets(%dma_start3A_84 : memref<50xi32, #tpu.memory_space<vmem>>) semaphore(%dma_start3A_89 : memref<!tpu.dma_semaphore, #tpu.memory_space<semaphore_mem>>)
      %add3A_90 = arith.constant 5 : i32
      %add3A_91 = arith.addi %mul3A_10, %add3A_90 : i32
      %dma_start3A_92 = arith.constant 5 : i32
      %dma_start3A_93 = arith.constant 5 : i32
      %dma_start3A_94 = arith.constant 0 : i32
      %dma_start3A_95 = arith.constant 0 : i32
      %dma_start3A_96 = tpu.memref_slice %arg6[%dma_start3A_92, %dma_start3A_94, %dma_start3A_95] : memref<8x50x64xf32, #tpu.memory_space<vmem>> -> memref<1x50x64xf32, #tpu.memory_space<vmem>>
      %dma_start3A_97 = tpu.memref_squeeze %dma_start3A_96 : memref<1x50x64xf32, #tpu.memory_space<vmem>> -> memref<50x64xf32, #tpu.memory_space<vmem>>
      %dma_start3A_98 = arith.constant 0 : i32
      %dma_start3A_99 = tpu.memref_slice %arg5[%add3A_91, %dma_start3A_98] : memref<128x50xi32, #tpu.memory_space<vmem>> -> memref<1x50xi32, #tpu.memory_space<vmem>>
      %dma_start3A_100 = tpu.memref_squeeze %dma_start3A_99 : memref<1x50xi32, #tpu.memory_space<vmem>> -> memref<50xi32, #tpu.memory_space<vmem>>
      %dma_start3A_101 = arith.constant 0 : i32
      %dma_start3A_102 = arith.constant 0 : i32
      %dma_start3A_103 = tpu.memref_slice %arg2[%dma_start3A_101, %dma_start3A_102] : memref<1000000x64xf32, #tpu.memory_space<hbm>> -> memref<1000000x64xf32, #tpu.memory_space<hbm>>
      %dma_start3A_104 = tpu.memref_slice %arg7[%dma_start3A_93] : memref<8x!tpu.dma_semaphore, #tpu.memory_space<semaphore_mem>> -> memref<1x!tpu.dma_semaphore, #tpu.memory_space<semaphore_mem>>
      %dma_start3A_105 = tpu.memref_squeeze %dma_start3A_104 : memref<1x!tpu.dma_semaphore, #tpu.memory_space<semaphore_mem>> -> memref<!tpu.dma_semaphore, #tpu.memory_space<semaphore_mem>>
      tpu.enqueue_indirect_dma source(%dma_start3A_103 : memref<1000000x64xf32, #tpu.memory_space<hbm>>) target(%dma_start3A_97 : memref<50x64xf32, #tpu.memory_space<vmem>>) offsets(%dma_start3A_100 : memref<50xi32, #tpu.memory_space<vmem>>) semaphore(%dma_start3A_105 : memref<!tpu.dma_semaphore, #tpu.memory_space<semaphore_mem>>)
      %add3A_106 = arith.constant 6 : i32
      %add3A_107 = arith.addi %mul3A_10, %add3A_106 : i32
      %dma_start3A_108 = arith.constant 6 : i32
      %dma_start3A_109 = arith.constant 6 : i32
      %dma_start3A_110 = arith.constant 0 : i32
      %dma_start3A_111 = arith.constant 0 : i32
      %dma_start3A_112 = tpu.memref_slice %arg6[%dma_start3A_108, %dma_start3A_110, %dma_start3A_111] : memref<8x50x64xf32, #tpu.memory_space<vmem>> -> memref<1x50x64xf32, #tpu.memory_space<vmem>>
      %dma_start3A_113 = tpu.memref_squeeze %dma_start3A_112 : memref<1x50x64xf32, #tpu.memory_space<vmem>> -> memref<50x64xf32, #tpu.memory_space<vmem>>
      %dma_start3A_114 = arith.constant 0 : i32
      %dma_start3A_115 = tpu.memref_slice %arg5[%add3A_107, %dma_start3A_114] : memref<128x50xi32, #tpu.memory_space<vmem>> -> memref<1x50xi32, #tpu.memory_space<vmem>>
      %dma_start3A_116 = tpu.memref_squeeze %dma_start3A_115 : memref<1x50xi32, #tpu.memory_space<vmem>> -> memref<50xi32, #tpu.memory_space<vmem>>
      %dma_start3A_117 = arith.constant 0 : i32
      %dma_start3A_118 = arith.constant 0 : i32
      %dma_start3A_119 = tpu.memref_slice %arg2[%dma_start3A_117, %dma_start3A_118] : memref<1000000x64xf32, #tpu.memory_space<hbm>> -> memref<1000000x64xf32, #tpu.memory_space<hbm>>
      %dma_start3A_120 = tpu.memref_slice %arg7[%dma_start3A_109] : memref<8x!tpu.dma_semaphore, #tpu.memory_space<semaphore_mem>> -> memref<1x!tpu.dma_semaphore, #tpu.memory_space<semaphore_mem>>
      %dma_start3A_121 = tpu.memref_squeeze %dma_start3A_120 : memref<1x!tpu.dma_semaphore, #tpu.memory_space<semaphore_mem>> -> memref<!tpu.dma_semaphore, #tpu.memory_space<semaphore_mem>>
      tpu.enqueue_indirect_dma source(%dma_start3A_119 : memref<1000000x64xf32, #tpu.memory_space<hbm>>) target(%dma_start3A_113 : memref<50x64xf32, #tpu.memory_space<vmem>>) offsets(%dma_start3A_116 : memref<50xi32, #tpu.memory_space<vmem>>) semaphore(%dma_start3A_121 : memref<!tpu.dma_semaphore, #tpu.memory_space<semaphore_mem>>)
      %add3A_122 = arith.constant 7 : i32
      %add3A_123 = arith.addi %mul3A_10, %add3A_122 : i32
      %dma_start3A_124 = arith.constant 7 : i32
      %dma_start3A_125 = arith.constant 7 : i32
      %dma_start3A_126 = arith.constant 0 : i32
      %dma_start3A_127 = arith.constant 0 : i32
      %dma_start3A_128 = tpu.memref_slice %arg6[%dma_start3A_124, %dma_start3A_126, %dma_start3A_127] : memref<8x50x64xf32, #tpu.memory_space<vmem>> -> memref<1x50x64xf32, #tpu.memory_space<vmem>>
      %dma_start3A_129 = tpu.memref_squeeze %dma_start3A_128 : memref<1x50x64xf32, #tpu.memory_space<vmem>> -> memref<50x64xf32, #tpu.memory_space<vmem>>
      %dma_start3A_130 = arith.constant 0 : i32
      %dma_start3A_131 = tpu.memref_slice %arg5[%add3A_123, %dma_start3A_130] : memref<128x50xi32, #tpu.memory_space<vmem>> -> memref<1x50xi32, #tpu.memory_space<vmem>>
      %dma_start3A_132 = tpu.memref_squeeze %dma_start3A_131 : memref<1x50xi32, #tpu.memory_space<vmem>> -> memref<50xi32, #tpu.memory_space<vmem>>
      %dma_start3A_133 = arith.constant 0 : i32
      %dma_start3A_134 = arith.constant 0 : i32
      %dma_start3A_135 = tpu.memref_slice %arg2[%dma_start3A_133, %dma_start3A_134] : memref<1000000x64xf32, #tpu.memory_space<hbm>> -> memref<1000000x64xf32, #tpu.memory_space<hbm>>
      %dma_start3A_136 = tpu.memref_slice %arg7[%dma_start3A_125] : memref<8x!tpu.dma_semaphore, #tpu.memory_space<semaphore_mem>> -> memref<1x!tpu.dma_semaphore, #tpu.memory_space<semaphore_mem>>
      %dma_start3A_137 = tpu.memref_squeeze %dma_start3A_136 : memref<1x!tpu.dma_semaphore, #tpu.memory_space<semaphore_mem>> -> memref<!tpu.dma_semaphore, #tpu.memory_space<semaphore_mem>>
      tpu.enqueue_indirect_dma source(%dma_start3A_135 : memref<1000000x64xf32, #tpu.memory_space<hbm>>) target(%dma_start3A_129 : memref<50x64xf32, #tpu.memory_space<vmem>>) offsets(%dma_start3A_132 : memref<50xi32, #tpu.memory_space<vmem>>) semaphore(%dma_start3A_137 : memref<!tpu.dma_semaphore, #tpu.memory_space<semaphore_mem>>)
      %dma_wait3A = arith.constant 0 : i32
      %dma_wait3A_138 = arith.constant 0 : i32
      %dma_wait3A_139 = arith.constant 0 : i32
      %dma_wait3A_140 = arith.constant 0 : i32
      %dma_wait3A_141 = tpu.memref_slice %arg6[%dma_wait3A, %dma_wait3A_139, %dma_wait3A_140] : memref<8x50x64xf32, #tpu.memory_space<vmem>> -> memref<1x50x64xf32, #tpu.memory_space<vmem>>
      %dma_wait3A_142 = tpu.memref_squeeze %dma_wait3A_141 : memref<1x50x64xf32, #tpu.memory_space<vmem>> -> memref<50x64xf32, #tpu.memory_space<vmem>>
      %dma_wait3A_143 = arith.constant 0 : i32
      %dma_wait3A_144 = tpu.memref_slice %arg5[%add3A_12, %dma_wait3A_143] : memref<128x50xi32, #tpu.memory_space<vmem>> -> memref<1x50xi32, #tpu.memory_space<vmem>>
      %dma_wait3A_145 = tpu.memref_squeeze %dma_wait3A_144 : memref<1x50xi32, #tpu.memory_space<vmem>> -> memref<50xi32, #tpu.memory_space<vmem>>
      %dma_wait3A_146 = arith.constant 0 : i32
      %dma_wait3A_147 = arith.constant 0 : i32
      %dma_wait3A_148 = tpu.memref_slice %arg2[%dma_wait3A_146, %dma_wait3A_147] : memref<1000000x64xf32, #tpu.memory_space<hbm>> -> memref<1000000x64xf32, #tpu.memory_space<hbm>>
      %dma_wait3A_149 = tpu.memref_slice %arg7[%dma_wait3A_138] : memref<8x!tpu.dma_semaphore, #tpu.memory_space<semaphore_mem>> -> memref<1x!tpu.dma_semaphore, #tpu.memory_space<semaphore_mem>>
      %dma_wait3A_150 = tpu.memref_squeeze %dma_wait3A_149 : memref<1x!tpu.dma_semaphore, #tpu.memory_space<semaphore_mem>> -> memref<!tpu.dma_semaphore, #tpu.memory_space<semaphore_mem>>
      tpu.wait_indirect_dma semaphore(%dma_wait3A_150 : memref<!tpu.dma_semaphore, #tpu.memory_space<semaphore_mem>>) src(%dma_wait3A_148 : memref<1000000x64xf32, #tpu.memory_space<hbm>>) dst(%dma_wait3A_142 : memref<50x64xf32, #tpu.memory_space<vmem>>)
      %add3A_151 = arith.addi %mul3A_2, %mul3A_10 : i32
      %add3A_152 = arith.constant 0 : i32
      %add3A_153 = arith.addi %add3A_151, %add3A_152 : i32
      %dma_start3A_154 = arith.constant 0 : i32
      %dma_start3A_155 = arith.constant 0 : i32
      %dma_start3A_156 = arith.constant 0 : i32
      %dma_start3A_157 = arith.constant 0 : i32
      %dma_start3A_158 = tpu.memref_slice %arg6[%dma_start3A_154, %dma_start3A_156, %dma_start3A_157] : memref<8x50x64xf32, #tpu.memory_space<vmem>> -> memref<1x50x64xf32, #tpu.memory_space<vmem>>
      %dma_start3A_159 = tpu.memref_squeeze %dma_start3A_158 : memref<1x50x64xf32, #tpu.memory_space<vmem>> -> memref<50x64xf32, #tpu.memory_space<vmem>>
      %dma_start3A_160 = arith.constant 0 : i32
      %dma_start3A_161 = arith.constant 0 : i32
      %dma_start3A_162 = tpu.memref_slice %arg4[%add3A_153, %dma_start3A_160, %dma_start3A_161] : memref<4096x56x128xf32, #tpu.memory_space<hbm>> -> memref<1x50x64xf32, #tpu.memory_space<hbm>>
      %dma_start3A_163 = tpu.memref_squeeze %dma_start3A_162 : memref<1x50x64xf32, #tpu.memory_space<hbm>> -> memref<50x64xf32, #tpu.memory_space<hbm>>
      %dma_start3A_164 = tpu.memref_slice %arg8[%dma_start3A_155] : memref<8x!tpu.dma_semaphore, #tpu.memory_space<semaphore_mem>> -> memref<1x!tpu.dma_semaphore, #tpu.memory_space<semaphore_mem>>
      %dma_start3A_165 = tpu.memref_squeeze %dma_start3A_164 : memref<1x!tpu.dma_semaphore, #tpu.memory_space<semaphore_mem>> -> memref<!tpu.dma_semaphore, #tpu.memory_space<semaphore_mem>>
      %dma_start3A_166 = arith.constant 0 : i32
      %dma_start3A_167 = arith.constant 0 : i32
      %dma_start3A_168 = tpu.memref_slice %arg4[%add3A_153, %dma_start3A_166, %dma_start3A_167] : memref<4096x56x128xf32, #tpu.memory_space<hbm>> -> memref<1x50x64xf32, #tpu.memory_space<hbm>>
      %dma_start3A_169 = tpu.memref_squeeze %dma_start3A_168 : memref<1x50x64xf32, #tpu.memory_space<hbm>> -> memref<50x64xf32, #tpu.memory_space<hbm>>
      %dma_start3A_170 = arith.constant 0 : i32
      %dma_start3A_171 = arith.constant 0 : i32
      %dma_start3A_172 = tpu.memref_slice %arg6[%dma_start3A_154, %dma_start3A_170, %dma_start3A_171] : memref<8x50x64xf32, #tpu.memory_space<vmem>> -> memref<1x50x64xf32, #tpu.memory_space<vmem>>
      %dma_start3A_173 = tpu.memref_squeeze %dma_start3A_172 : memref<1x50x64xf32, #tpu.memory_space<vmem>> -> memref<50x64xf32, #tpu.memory_space<vmem>>
      tpu.enqueue_dma source(%dma_start3A_173 : memref<50x64xf32, #tpu.memory_space<vmem>>) target(%dma_start3A_169 : memref<50x64xf32, #tpu.memory_space<hbm>>) target_semaphore(%dma_start3A_165 : memref<!tpu.dma_semaphore, #tpu.memory_space<semaphore_mem>>)
      %dma_wait3A_174 = arith.constant 1 : i32
      %dma_wait3A_175 = arith.constant 1 : i32
      %dma_wait3A_176 = arith.constant 0 : i32
      %dma_wait3A_177 = arith.constant 0 : i32
      %dma_wait3A_178 = tpu.memref_slice %arg6[%dma_wait3A_174, %dma_wait3A_176, %dma_wait3A_177] : memref<8x50x64xf32, #tpu.memory_space<vmem>> -> memref<1x50x64xf32, #tpu.memory_space<vmem>>
      %dma_wait3A_179 = tpu.memref_squeeze %dma_wait3A_178 : memref<1x50x64xf32, #tpu.memory_space<vmem>> -> memref<50x64xf32, #tpu.memory_space<vmem>>
      %dma_wait3A_180 = arith.constant 0 : i32
      %dma_wait3A_181 = tpu.memref_slice %arg5[%add3A_27, %dma_wait3A_180] : memref<128x50xi32, #tpu.memory_space<vmem>> -> memref<1x50xi32, #tpu.memory_space<vmem>>
      %dma_wait3A_182 = tpu.memref_squeeze %dma_wait3A_181 : memref<1x50xi32, #tpu.memory_space<vmem>> -> memref<50xi32, #tpu.memory_space<vmem>>
      %dma_wait3A_183 = arith.constant 0 : i32
      %dma_wait3A_184 = arith.constant 0 : i32
      %dma_wait3A_185 = tpu.memref_slice %arg2[%dma_wait3A_183, %dma_wait3A_184] : memref<1000000x64xf32, #tpu.memory_space<hbm>> -> memref<1000000x64xf32, #tpu.memory_space<hbm>>
      %dma_wait3A_186 = tpu.memref_slice %arg7[%dma_wait3A_175] : memref<8x!tpu.dma_semaphore, #tpu.memory_space<semaphore_mem>> -> memref<1x!tpu.dma_semaphore, #tpu.memory_space<semaphore_mem>>
      %dma_wait3A_187 = tpu.memref_squeeze %dma_wait3A_186 : memref<1x!tpu.dma_semaphore, #tpu.memory_space<semaphore_mem>> -> memref<!tpu.dma_semaphore, #tpu.memory_space<semaphore_mem>>
      tpu.wait_indirect_dma semaphore(%dma_wait3A_187 : memref<!tpu.dma_semaphore, #tpu.memory_space<semaphore_mem>>) src(%dma_wait3A_185 : memref<1000000x64xf32, #tpu.memory_space<hbm>>) dst(%dma_wait3A_179 : memref<50x64xf32, #tpu.memory_space<vmem>>)
      %add3A_188 = arith.addi %mul3A_2, %mul3A_10 : i32
      %add3A_189 = arith.constant 1 : i32
      %add3A_190 = arith.addi %add3A_188, %add3A_189 : i32
      %dma_start3A_191 = arith.constant 1 : i32
      %dma_start3A_192 = arith.constant 1 : i32
      %dma_start3A_193 = arith.constant 0 : i32
      %dma_start3A_194 = arith.constant 0 : i32
      %dma_start3A_195 = tpu.memref_slice %arg6[%dma_start3A_191, %dma_start3A_193, %dma_start3A_194] : memref<8x50x64xf32, #tpu.memory_space<vmem>> -> memref<1x50x64xf32, #tpu.memory_space<vmem>>
      %dma_start3A_196 = tpu.memref_squeeze %dma_start3A_195 : memref<1x50x64xf32, #tpu.memory_space<vmem>> -> memref<50x64xf32, #tpu.memory_space<vmem>>
      %dma_start3A_197 = arith.constant 0 : i32
      %dma_start3A_198 = arith.constant 0 : i32
      %dma_start3A_199 = tpu.memref_slice %arg4[%add3A_190, %dma_start3A_197, %dma_start3A_198] : memref<4096x56x128xf32, #tpu.memory_space<hbm>> -> memref<1x50x64xf32, #tpu.memory_space<hbm>>
      %dma_start3A_200 = tpu.memref_squeeze %dma_start3A_199 : memref<1x50x64xf32, #tpu.memory_space<hbm>> -> memref<50x64xf32, #tpu.memory_space<hbm>>
      %dma_start3A_201 = tpu.memref_slice %arg8[%dma_start3A_192] : memref<8x!tpu.dma_semaphore, #tpu.memory_space<semaphore_mem>> -> memref<1x!tpu.dma_semaphore, #tpu.memory_space<semaphore_mem>>
      %dma_start3A_202 = tpu.memref_squeeze %dma_start3A_201 : memref<1x!tpu.dma_semaphore, #tpu.memory_space<semaphore_mem>> -> memref<!tpu.dma_semaphore, #tpu.memory_space<semaphore_mem>>
      %dma_start3A_203 = arith.constant 0 : i32
      %dma_start3A_204 = arith.constant 0 : i32
      %dma_start3A_205 = tpu.memref_slice %arg4[%add3A_190, %dma_start3A_203, %dma_start3A_204] : memref<4096x56x128xf32, #tpu.memory_space<hbm>> -> memref<1x50x64xf32, #tpu.memory_space<hbm>>
      %dma_start3A_206 = tpu.memref_squeeze %dma_start3A_205 : memref<1x50x64xf32, #tpu.memory_space<hbm>> -> memref<50x64xf32, #tpu.memory_space<hbm>>
      %dma_start3A_207 = arith.constant 0 : i32
      %dma_start3A_208 = arith.constant 0 : i32
      %dma_start3A_209 = tpu.memref_slice %arg6[%dma_start3A_191, %dma_start3A_207, %dma_start3A_208] : memref<8x50x64xf32, #tpu.memory_space<vmem>> -> memref<1x50x64xf32, #tpu.memory_space<vmem>>
      %dma_start3A_210 = tpu.memref_squeeze %dma_start3A_209 : memref<1x50x64xf32, #tpu.memory_space<vmem>> -> memref<50x64xf32, #tpu.memory_space<vmem>>
      tpu.enqueue_dma source(%dma_start3A_210 : memref<50x64xf32, #tpu.memory_space<vmem>>) target(%dma_start3A_206 : memref<50x64xf32, #tpu.memory_space<hbm>>) target_semaphore(%dma_start3A_202 : memref<!tpu.dma_semaphore, #tpu.memory_space<semaphore_mem>>)
      %dma_wait3A_211 = arith.constant 2 : i32
      %dma_wait3A_212 = arith.constant 2 : i32
      %dma_wait3A_213 = arith.constant 0 : i32
      %dma_wait3A_214 = arith.constant 0 : i32
      %dma_wait3A_215 = tpu.memref_slice %arg6[%dma_wait3A_211, %dma_wait3A_213, %dma_wait3A_214] : memref<8x50x64xf32, #tpu.memory_space<vmem>> -> memref<1x50x64xf32, #tpu.memory_space<vmem>>
      %dma_wait3A_216 = tpu.memref_squeeze %dma_wait3A_215 : memref<1x50x64xf32, #tpu.memory_space<vmem>> -> memref<50x64xf32, #tpu.memory_space<vmem>>
      %dma_wait3A_217 = arith.constant 0 : i32
      %dma_wait3A_218 = tpu.memref_slice %arg5[%add3A_43, %dma_wait3A_217] : memref<128x50xi32, #tpu.memory_space<vmem>> -> memref<1x50xi32, #tpu.memory_space<vmem>>
      %dma_wait3A_219 = tpu.memref_squeeze %dma_wait3A_218 : memref<1x50xi32, #tpu.memory_space<vmem>> -> memref<50xi32, #tpu.memory_space<vmem>>
      %dma_wait3A_220 = arith.constant 0 : i32
      %dma_wait3A_221 = arith.constant 0 : i32
      %dma_wait3A_222 = tpu.memref_slice %arg2[%dma_wait3A_220, %dma_wait3A_221] : memref<1000000x64xf32, #tpu.memory_space<hbm>> -> memref<1000000x64xf32, #tpu.memory_space<hbm>>
      %dma_wait3A_223 = tpu.memref_slice %arg7[%dma_wait3A_212] : memref<8x!tpu.dma_semaphore, #tpu.memory_space<semaphore_mem>> -> memref<1x!tpu.dma_semaphore, #tpu.memory_space<semaphore_mem>>
      %dma_wait3A_224 = tpu.memref_squeeze %dma_wait3A_223 : memref<1x!tpu.dma_semaphore, #tpu.memory_space<semaphore_mem>> -> memref<!tpu.dma_semaphore, #tpu.memory_space<semaphore_mem>>
      tpu.wait_indirect_dma semaphore(%dma_wait3A_224 : memref<!tpu.dma_semaphore, #tpu.memory_space<semaphore_mem>>) src(%dma_wait3A_222 : memref<1000000x64xf32, #tpu.memory_space<hbm>>) dst(%dma_wait3A_216 : memref<50x64xf32, #tpu.memory_space<vmem>>)
      %add3A_225 = arith.addi %mul3A_2, %mul3A_10 : i32
      %add3A_226 = arith.constant 2 : i32
      %add3A_227 = arith.addi %add3A_225, %add3A_226 : i32
      %dma_start3A_228 = arith.constant 2 : i32
      %dma_start3A_229 = arith.constant 2 : i32
      %dma_start3A_230 = arith.constant 0 : i32
      %dma_start3A_231 = arith.constant 0 : i32
      %dma_start3A_232 = tpu.memref_slice %arg6[%dma_start3A_228, %dma_start3A_230, %dma_start3A_231] : memref<8x50x64xf32, #tpu.memory_space<vmem>> -> memref<1x50x64xf32, #tpu.memory_space<vmem>>
      %dma_start3A_233 = tpu.memref_squeeze %dma_start3A_232 : memref<1x50x64xf32, #tpu.memory_space<vmem>> -> memref<50x64xf32, #tpu.memory_space<vmem>>
      %dma_start3A_234 = arith.constant 0 : i32
      %dma_start3A_235 = arith.constant 0 : i32
      %dma_start3A_236 = tpu.memref_slice %arg4[%add3A_227, %dma_start3A_234, %dma_start3A_235] : memref<4096x56x128xf32, #tpu.memory_space<hbm>> -> memref<1x50x64xf32, #tpu.memory_space<hbm>>
      %dma_start3A_237 = tpu.memref_squeeze %dma_start3A_236 : memref<1x50x64xf32, #tpu.memory_space<hbm>> -> memref<50x64xf32, #tpu.memory_space<hbm>>
      %dma_start3A_238 = tpu.memref_slice %arg8[%dma_start3A_229] : memref<8x!tpu.dma_semaphore, #tpu.memory_space<semaphore_mem>> -> memref<1x!tpu.dma_semaphore, #tpu.memory_space<semaphore_mem>>
      %dma_start3A_239 = tpu.memref_squeeze %dma_start3A_238 : memref<1x!tpu.dma_semaphore, #tpu.memory_space<semaphore_mem>> -> memref<!tpu.dma_semaphore, #tpu.memory_space<semaphore_mem>>
      %dma_start3A_240 = arith.constant 0 : i32
      %dma_start3A_241 = arith.constant 0 : i32
      %dma_start3A_242 = tpu.memref_slice %arg4[%add3A_227, %dma_start3A_240, %dma_start3A_241] : memref<4096x56x128xf32, #tpu.memory_space<hbm>> -> memref<1x50x64xf32, #tpu.memory_space<hbm>>
      %dma_start3A_243 = tpu.memref_squeeze %dma_start3A_242 : memref<1x50x64xf32, #tpu.memory_space<hbm>> -> memref<50x64xf32, #tpu.memory_space<hbm>>
      %dma_start3A_244 = arith.constant 0 : i32
      %dma_start3A_245 = arith.constant 0 : i32
      %dma_start3A_246 = tpu.memref_slice %arg6[%dma_start3A_228, %dma_start3A_244, %dma_start3A_245] : memref<8x50x64xf32, #tpu.memory_space<vmem>> -> memref<1x50x64xf32, #tpu.memory_space<vmem>>
      %dma_start3A_247 = tpu.memref_squeeze %dma_start3A_246 : memref<1x50x64xf32, #tpu.memory_space<vmem>> -> memref<50x64xf32, #tpu.memory_space<vmem>>
      tpu.enqueue_dma source(%dma_start3A_247 : memref<50x64xf32, #tpu.memory_space<vmem>>) target(%dma_start3A_243 : memref<50x64xf32, #tpu.memory_space<hbm>>) target_semaphore(%dma_start3A_239 : memref<!tpu.dma_semaphore, #tpu.memory_space<semaphore_mem>>)
      %dma_wait3A_248 = arith.constant 3 : i32
      %dma_wait3A_249 = arith.constant 3 : i32
      %dma_wait3A_250 = arith.constant 0 : i32
      %dma_wait3A_251 = arith.constant 0 : i32
      %dma_wait3A_252 = tpu.memref_slice %arg6[%dma_wait3A_248, %dma_wait3A_250, %dma_wait3A_251] : memref<8x50x64xf32, #tpu.memory_space<vmem>> -> memref<1x50x64xf32, #tpu.memory_space<vmem>>
      %dma_wait3A_253 = tpu.memref_squeeze %dma_wait3A_252 : memref<1x50x64xf32, #tpu.memory_space<vmem>> -> memref<50x64xf32, #tpu.memory_space<vmem>>
      %dma_wait3A_254 = arith.constant 0 : i32
      %dma_wait3A_255 = tpu.memref_slice %arg5[%add3A_59, %dma_wait3A_254] : memref<128x50xi32, #tpu.memory_space<vmem>> -> memref<1x50xi32, #tpu.memory_space<vmem>>
      %dma_wait3A_256 = tpu.memref_squeeze %dma_wait3A_255 : memref<1x50xi32, #tpu.memory_space<vmem>> -> memref<50xi32, #tpu.memory_space<vmem>>
      %dma_wait3A_257 = arith.constant 0 : i32
      %dma_wait3A_258 = arith.constant 0 : i32
      %dma_wait3A_259 = tpu.memref_slice %arg2[%dma_wait3A_257, %dma_wait3A_258] : memref<1000000x64xf32, #tpu.memory_space<hbm>> -> memref<1000000x64xf32, #tpu.memory_space<hbm>>
      %dma_wait3A_260 = tpu.memref_slice %arg7[%dma_wait3A_249] : memref<8x!tpu.dma_semaphore, #tpu.memory_space<semaphore_mem>> -> memref<1x!tpu.dma_semaphore, #tpu.memory_space<semaphore_mem>>
      %dma_wait3A_261 = tpu.memref_squeeze %dma_wait3A_260 : memref<1x!tpu.dma_semaphore, #tpu.memory_space<semaphore_mem>> -> memref<!tpu.dma_semaphore, #tpu.memory_space<semaphore_mem>>
      tpu.wait_indirect_dma semaphore(%dma_wait3A_261 : memref<!tpu.dma_semaphore, #tpu.memory_space<semaphore_mem>>) src(%dma_wait3A_259 : memref<1000000x64xf32, #tpu.memory_space<hbm>>) dst(%dma_wait3A_253 : memref<50x64xf32, #tpu.memory_space<vmem>>)
      %add3A_262 = arith.addi %mul3A_2, %mul3A_10 : i32
      %add3A_263 = arith.constant 3 : i32
      %add3A_264 = arith.addi %add3A_262, %add3A_263 : i32
      %dma_start3A_265 = arith.constant 3 : i32
      %dma_start3A_266 = arith.constant 3 : i32
      %dma_start3A_267 = arith.constant 0 : i32
      %dma_start3A_268 = arith.constant 0 : i32
      %dma_start3A_269 = tpu.memref_slice %arg6[%dma_start3A_265, %dma_start3A_267, %dma_start3A_268] : memref<8x50x64xf32, #tpu.memory_space<vmem>> -> memref<1x50x64xf32, #tpu.memory_space<vmem>>
      %dma_start3A_270 = tpu.memref_squeeze %dma_start3A_269 : memref<1x50x64xf32, #tpu.memory_space<vmem>> -> memref<50x64xf32, #tpu.memory_space<vmem>>
      %dma_start3A_271 = arith.constant 0 : i32
      %dma_start3A_272 = arith.constant 0 : i32
      %dma_start3A_273 = tpu.memref_slice %arg4[%add3A_264, %dma_start3A_271, %dma_start3A_272] : memref<4096x56x128xf32, #tpu.memory_space<hbm>> -> memref<1x50x64xf32, #tpu.memory_space<hbm>>
      %dma_start3A_274 = tpu.memref_squeeze %dma_start3A_273 : memref<1x50x64xf32, #tpu.memory_space<hbm>> -> memref<50x64xf32, #tpu.memory_space<hbm>>
      %dma_start3A_275 = tpu.memref_slice %arg8[%dma_start3A_266] : memref<8x!tpu.dma_semaphore, #tpu.memory_space<semaphore_mem>> -> memref<1x!tpu.dma_semaphore, #tpu.memory_space<semaphore_mem>>
      %dma_start3A_276 = tpu.memref_squeeze %dma_start3A_275 : memref<1x!tpu.dma_semaphore, #tpu.memory_space<semaphore_mem>> -> memref<!tpu.dma_semaphore, #tpu.memory_space<semaphore_mem>>
      %dma_start3A_277 = arith.constant 0 : i32
      %dma_start3A_278 = arith.constant 0 : i32
      %dma_start3A_279 = tpu.memref_slice %arg4[%add3A_264, %dma_start3A_277, %dma_start3A_278] : memref<4096x56x128xf32, #tpu.memory_space<hbm>> -> memref<1x50x64xf32, #tpu.memory_space<hbm>>
      %dma_start3A_280 = tpu.memref_squeeze %dma_start3A_279 : memref<1x50x64xf32, #tpu.memory_space<hbm>> -> memref<50x64xf32, #tpu.memory_space<hbm>>
      %dma_start3A_281 = arith.constant 0 : i32
      %dma_start3A_282 = arith.constant 0 : i32
      %dma_start3A_283 = tpu.memref_slice %arg6[%dma_start3A_265, %dma_start3A_281, %dma_start3A_282] : memref<8x50x64xf32, #tpu.memory_space<vmem>> -> memref<1x50x64xf32, #tpu.memory_space<vmem>>
      %dma_start3A_284 = tpu.memref_squeeze %dma_start3A_283 : memref<1x50x64xf32, #tpu.memory_space<vmem>> -> memref<50x64xf32, #tpu.memory_space<vmem>>
      tpu.enqueue_dma source(%dma_start3A_284 : memref<50x64xf32, #tpu.memory_space<vmem>>) target(%dma_start3A_280 : memref<50x64xf32, #tpu.memory_space<hbm>>) target_semaphore(%dma_start3A_276 : memref<!tpu.dma_semaphore, #tpu.memory_space<semaphore_mem>>)
      %dma_wait3A_285 = arith.constant 4 : i32
      %dma_wait3A_286 = arith.constant 4 : i32
      %dma_wait3A_287 = arith.constant 0 : i32
      %dma_wait3A_288 = arith.constant 0 : i32
      %dma_wait3A_289 = tpu.memref_slice %arg6[%dma_wait3A_285, %dma_wait3A_287, %dma_wait3A_288] : memref<8x50x64xf32, #tpu.memory_space<vmem>> -> memref<1x50x64xf32, #tpu.memory_space<vmem>>
      %dma_wait3A_290 = tpu.memref_squeeze %dma_wait3A_289 : memref<1x50x64xf32, #tpu.memory_space<vmem>> -> memref<50x64xf32, #tpu.memory_space<vmem>>
      %dma_wait3A_291 = arith.constant 0 : i32
      %dma_wait3A_292 = tpu.memref_slice %arg5[%add3A_75, %dma_wait3A_291] : memref<128x50xi32, #tpu.memory_space<vmem>> -> memref<1x50xi32, #tpu.memory_space<vmem>>
      %dma_wait3A_293 = tpu.memref_squeeze %dma_wait3A_292 : memref<1x50xi32, #tpu.memory_space<vmem>> -> memref<50xi32, #tpu.memory_space<vmem>>
      %dma_wait3A_294 = arith.constant 0 : i32
      %dma_wait3A_295 = arith.constant 0 : i32
      %dma_wait3A_296 = tpu.memref_slice %arg2[%dma_wait3A_294, %dma_wait3A_295] : memref<1000000x64xf32, #tpu.memory_space<hbm>> -> memref<1000000x64xf32, #tpu.memory_space<hbm>>
      %dma_wait3A_297 = tpu.memref_slice %arg7[%dma_wait3A_286] : memref<8x!tpu.dma_semaphore, #tpu.memory_space<semaphore_mem>> -> memref<1x!tpu.dma_semaphore, #tpu.memory_space<semaphore_mem>>
      %dma_wait3A_298 = tpu.memref_squeeze %dma_wait3A_297 : memref<1x!tpu.dma_semaphore, #tpu.memory_space<semaphore_mem>> -> memref<!tpu.dma_semaphore, #tpu.memory_space<semaphore_mem>>
      tpu.wait_indirect_dma semaphore(%dma_wait3A_298 : memref<!tpu.dma_semaphore, #tpu.memory_space<semaphore_mem>>) src(%dma_wait3A_296 : memref<1000000x64xf32, #tpu.memory_space<hbm>>) dst(%dma_wait3A_290 : memref<50x64xf32, #tpu.memory_space<vmem>>)
      %add3A_299 = arith.addi %mul3A_2, %mul3A_10 : i32
      %add3A_300 = arith.constant 4 : i32
      %add3A_301 = arith.addi %add3A_299, %add3A_300 : i32
      %dma_start3A_302 = arith.constant 4 : i32
      %dma_start3A_303 = arith.constant 4 : i32
      %dma_start3A_304 = arith.constant 0 : i32
      %dma_start3A_305 = arith.constant 0 : i32
      %dma_start3A_306 = tpu.memref_slice %arg6[%dma_start3A_302, %dma_start3A_304, %dma_start3A_305] : memref<8x50x64xf32, #tpu.memory_space<vmem>> -> memref<1x50x64xf32, #tpu.memory_space<vmem>>
      %dma_start3A_307 = tpu.memref_squeeze %dma_start3A_306 : memref<1x50x64xf32, #tpu.memory_space<vmem>> -> memref<50x64xf32, #tpu.memory_space<vmem>>
      %dma_start3A_308 = arith.constant 0 : i32
      %dma_start3A_309 = arith.constant 0 : i32
      %dma_start3A_310 = tpu.memref_slice %arg4[%add3A_301, %dma_start3A_308, %dma_start3A_309] : memref<4096x56x128xf32, #tpu.memory_space<hbm>> -> memref<1x50x64xf32, #tpu.memory_space<hbm>>
      %dma_start3A_311 = tpu.memref_squeeze %dma_start3A_310 : memref<1x50x64xf32, #tpu.memory_space<hbm>> -> memref<50x64xf32, #tpu.memory_space<hbm>>
      %dma_start3A_312 = tpu.memref_slice %arg8[%dma_start3A_303] : memref<8x!tpu.dma_semaphore, #tpu.memory_space<semaphore_mem>> -> memref<1x!tpu.dma_semaphore, #tpu.memory_space<semaphore_mem>>
      %dma_start3A_313 = tpu.memref_squeeze %dma_start3A_312 : memref<1x!tpu.dma_semaphore, #tpu.memory_space<semaphore_mem>> -> memref<!tpu.dma_semaphore, #tpu.memory_space<semaphore_mem>>
      %dma_start3A_314 = arith.constant 0 : i32
      %dma_start3A_315 = arith.constant 0 : i32
      %dma_start3A_316 = tpu.memref_slice %arg4[%add3A_301, %dma_start3A_314, %dma_start3A_315] : memref<4096x56x128xf32, #tpu.memory_space<hbm>> -> memref<1x50x64xf32, #tpu.memory_space<hbm>>
      %dma_start3A_317 = tpu.memref_squeeze %dma_start3A_316 : memref<1x50x64xf32, #tpu.memory_space<hbm>> -> memref<50x64xf32, #tpu.memory_space<hbm>>
      %dma_start3A_318 = arith.constant 0 : i32
      %dma_start3A_319 = arith.constant 0 : i32
      %dma_start3A_320 = tpu.memref_slice %arg6[%dma_start3A_302, %dma_start3A_318, %dma_start3A_319] : memref<8x50x64xf32, #tpu.memory_space<vmem>> -> memref<1x50x64xf32, #tpu.memory_space<vmem>>
      %dma_start3A_321 = tpu.memref_squeeze %dma_start3A_320 : memref<1x50x64xf32, #tpu.memory_space<vmem>> -> memref<50x64xf32, #tpu.memory_space<vmem>>
      tpu.enqueue_dma source(%dma_start3A_321 : memref<50x64xf32, #tpu.memory_space<vmem>>) target(%dma_start3A_317 : memref<50x64xf32, #tpu.memory_space<hbm>>) target_semaphore(%dma_start3A_313 : memref<!tpu.dma_semaphore, #tpu.memory_space<semaphore_mem>>)
      %dma_wait3A_322 = arith.constant 5 : i32
      %dma_wait3A_323 = arith.constant 5 : i32
      %dma_wait3A_324 = arith.constant 0 : i32
      %dma_wait3A_325 = arith.constant 0 : i32
      %dma_wait3A_326 = tpu.memref_slice %arg6[%dma_wait3A_322, %dma_wait3A_324, %dma_wait3A_325] : memref<8x50x64xf32, #tpu.memory_space<vmem>> -> memref<1x50x64xf32, #tpu.memory_space<vmem>>
      %dma_wait3A_327 = tpu.memref_squeeze %dma_wait3A_326 : memref<1x50x64xf32, #tpu.memory_space<vmem>> -> memref<50x64xf32, #tpu.memory_space<vmem>>
      %dma_wait3A_328 = arith.constant 0 : i32
      %dma_wait3A_329 = tpu.memref_slice %arg5[%add3A_91, %dma_wait3A_328] : memref<128x50xi32, #tpu.memory_space<vmem>> -> memref<1x50xi32, #tpu.memory_space<vmem>>
      %dma_wait3A_330 = tpu.memref_squeeze %dma_wait3A_329 : memref<1x50xi32, #tpu.memory_space<vmem>> -> memref<50xi32, #tpu.memory_space<vmem>>
      %dma_wait3A_331 = arith.constant 0 : i32
      %dma_wait3A_332 = arith.constant 0 : i32
      %dma_wait3A_333 = tpu.memref_slice %arg2[%dma_wait3A_331, %dma_wait3A_332] : memref<1000000x64xf32, #tpu.memory_space<hbm>> -> memref<1000000x64xf32, #tpu.memory_space<hbm>>
      %dma_wait3A_334 = tpu.memref_slice %arg7[%dma_wait3A_323] : memref<8x!tpu.dma_semaphore, #tpu.memory_space<semaphore_mem>> -> memref<1x!tpu.dma_semaphore, #tpu.memory_space<semaphore_mem>>
      %dma_wait3A_335 = tpu.memref_squeeze %dma_wait3A_334 : memref<1x!tpu.dma_semaphore, #tpu.memory_space<semaphore_mem>> -> memref<!tpu.dma_semaphore, #tpu.memory_space<semaphore_mem>>
      tpu.wait_indirect_dma semaphore(%dma_wait3A_335 : memref<!tpu.dma_semaphore, #tpu.memory_space<semaphore_mem>>) src(%dma_wait3A_333 : memref<1000000x64xf32, #tpu.memory_space<hbm>>) dst(%dma_wait3A_327 : memref<50x64xf32, #tpu.memory_space<vmem>>)
      %add3A_336 = arith.addi %mul3A_2, %mul3A_10 : i32
      %add3A_337 = arith.constant 5 : i32
      %add3A_338 = arith.addi %add3A_336, %add3A_337 : i32
      %dma_start3A_339 = arith.constant 5 : i32
      %dma_start3A_340 = arith.constant 5 : i32
      %dma_start3A_341 = arith.constant 0 : i32
      %dma_start3A_342 = arith.constant 0 : i32
      %dma_start3A_343 = tpu.memref_slice %arg6[%dma_start3A_339, %dma_start3A_341, %dma_start3A_342] : memref<8x50x64xf32, #tpu.memory_space<vmem>> -> memref<1x50x64xf32, #tpu.memory_space<vmem>>
      %dma_start3A_344 = tpu.memref_squeeze %dma_start3A_343 : memref<1x50x64xf32, #tpu.memory_space<vmem>> -> memref<50x64xf32, #tpu.memory_space<vmem>>
      %dma_start3A_345 = arith.constant 0 : i32
      %dma_start3A_346 = arith.constant 0 : i32
      %dma_start3A_347 = tpu.memref_slice %arg4[%add3A_338, %dma_start3A_345, %dma_start3A_346] : memref<4096x56x128xf32, #tpu.memory_space<hbm>> -> memref<1x50x64xf32, #tpu.memory_space<hbm>>
      %dma_start3A_348 = tpu.memref_squeeze %dma_start3A_347 : memref<1x50x64xf32, #tpu.memory_space<hbm>> -> memref<50x64xf32, #tpu.memory_space<hbm>>
      %dma_start3A_349 = tpu.memref_slice %arg8[%dma_start3A_340] : memref<8x!tpu.dma_semaphore, #tpu.memory_space<semaphore_mem>> -> memref<1x!tpu.dma_semaphore, #tpu.memory_space<semaphore_mem>>
      %dma_start3A_350 = tpu.memref_squeeze %dma_start3A_349 : memref<1x!tpu.dma_semaphore, #tpu.memory_space<semaphore_mem>> -> memref<!tpu.dma_semaphore, #tpu.memory_space<semaphore_mem>>
      %dma_start3A_351 = arith.constant 0 : i32
      %dma_start3A_352 = arith.constant 0 : i32
      %dma_start3A_353 = tpu.memref_slice %arg4[%add3A_338, %dma_start3A_351, %dma_start3A_352] : memref<4096x56x128xf32, #tpu.memory_space<hbm>> -> memref<1x50x64xf32, #tpu.memory_space<hbm>>
      %dma_start3A_354 = tpu.memref_squeeze %dma_start3A_353 : memref<1x50x64xf32, #tpu.memory_space<hbm>> -> memref<50x64xf32, #tpu.memory_space<hbm>>
      %dma_start3A_355 = arith.constant 0 : i32
      %dma_start3A_356 = arith.constant 0 : i32
      %dma_start3A_357 = tpu.memref_slice %arg6[%dma_start3A_339, %dma_start3A_355, %dma_start3A_356] : memref<8x50x64xf32, #tpu.memory_space<vmem>> -> memref<1x50x64xf32, #tpu.memory_space<vmem>>
      %dma_start3A_358 = tpu.memref_squeeze %dma_start3A_357 : memref<1x50x64xf32, #tpu.memory_space<vmem>> -> memref<50x64xf32, #tpu.memory_space<vmem>>
      tpu.enqueue_dma source(%dma_start3A_358 : memref<50x64xf32, #tpu.memory_space<vmem>>) target(%dma_start3A_354 : memref<50x64xf32, #tpu.memory_space<hbm>>) target_semaphore(%dma_start3A_350 : memref<!tpu.dma_semaphore, #tpu.memory_space<semaphore_mem>>)
      %dma_wait3A_359 = arith.constant 6 : i32
      %dma_wait3A_360 = arith.constant 6 : i32
      %dma_wait3A_361 = arith.constant 0 : i32
      %dma_wait3A_362 = arith.constant 0 : i32
      %dma_wait3A_363 = tpu.memref_slice %arg6[%dma_wait3A_359, %dma_wait3A_361, %dma_wait3A_362] : memref<8x50x64xf32, #tpu.memory_space<vmem>> -> memref<1x50x64xf32, #tpu.memory_space<vmem>>
      %dma_wait3A_364 = tpu.memref_squeeze %dma_wait3A_363 : memref<1x50x64xf32, #tpu.memory_space<vmem>> -> memref<50x64xf32, #tpu.memory_space<vmem>>
      %dma_wait3A_365 = arith.constant 0 : i32
      %dma_wait3A_366 = tpu.memref_slice %arg5[%add3A_107, %dma_wait3A_365] : memref<128x50xi32, #tpu.memory_space<vmem>> -> memref<1x50xi32, #tpu.memory_space<vmem>>
      %dma_wait3A_367 = tpu.memref_squeeze %dma_wait3A_366 : memref<1x50xi32, #tpu.memory_space<vmem>> -> memref<50xi32, #tpu.memory_space<vmem>>
      %dma_wait3A_368 = arith.constant 0 : i32
      %dma_wait3A_369 = arith.constant 0 : i32
      %dma_wait3A_370 = tpu.memref_slice %arg2[%dma_wait3A_368, %dma_wait3A_369] : memref<1000000x64xf32, #tpu.memory_space<hbm>> -> memref<1000000x64xf32, #tpu.memory_space<hbm>>
      %dma_wait3A_371 = tpu.memref_slice %arg7[%dma_wait3A_360] : memref<8x!tpu.dma_semaphore, #tpu.memory_space<semaphore_mem>> -> memref<1x!tpu.dma_semaphore, #tpu.memory_space<semaphore_mem>>
      %dma_wait3A_372 = tpu.memref_squeeze %dma_wait3A_371 : memref<1x!tpu.dma_semaphore, #tpu.memory_space<semaphore_mem>> -> memref<!tpu.dma_semaphore, #tpu.memory_space<semaphore_mem>>
      tpu.wait_indirect_dma semaphore(%dma_wait3A_372 : memref<!tpu.dma_semaphore, #tpu.memory_space<semaphore_mem>>) src(%dma_wait3A_370 : memref<1000000x64xf32, #tpu.memory_space<hbm>>) dst(%dma_wait3A_364 : memref<50x64xf32, #tpu.memory_space<vmem>>)
      %add3A_373 = arith.addi %mul3A_2, %mul3A_10 : i32
      %add3A_374 = arith.constant 6 : i32
      %add3A_375 = arith.addi %add3A_373, %add3A_374 : i32
      %dma_start3A_376 = arith.constant 6 : i32
      %dma_start3A_377 = arith.constant 6 : i32
      %dma_start3A_378 = arith.constant 0 : i32
      %dma_start3A_379 = arith.constant 0 : i32
      %dma_start3A_380 = tpu.memref_slice %arg6[%dma_start3A_376, %dma_start3A_378, %dma_start3A_379] : memref<8x50x64xf32, #tpu.memory_space<vmem>> -> memref<1x50x64xf32, #tpu.memory_space<vmem>>
      %dma_start3A_381 = tpu.memref_squeeze %dma_start3A_380 : memref<1x50x64xf32, #tpu.memory_space<vmem>> -> memref<50x64xf32, #tpu.memory_space<vmem>>
      %dma_start3A_382 = arith.constant 0 : i32
      %dma_start3A_383 = arith.constant 0 : i32
      %dma_start3A_384 = tpu.memref_slice %arg4[%add3A_375, %dma_start3A_382, %dma_start3A_383] : memref<4096x56x128xf32, #tpu.memory_space<hbm>> -> memref<1x50x64xf32, #tpu.memory_space<hbm>>
      %dma_start3A_385 = tpu.memref_squeeze %dma_start3A_384 : memref<1x50x64xf32, #tpu.memory_space<hbm>> -> memref<50x64xf32, #tpu.memory_space<hbm>>
      %dma_start3A_386 = tpu.memref_slice %arg8[%dma_start3A_377] : memref<8x!tpu.dma_semaphore, #tpu.memory_space<semaphore_mem>> -> memref<1x!tpu.dma_semaphore, #tpu.memory_space<semaphore_mem>>
      %dma_start3A_387 = tpu.memref_squeeze %dma_start3A_386 : memref<1x!tpu.dma_semaphore, #tpu.memory_space<semaphore_mem>> -> memref<!tpu.dma_semaphore, #tpu.memory_space<semaphore_mem>>
      %dma_start3A_388 = arith.constant 0 : i32
      %dma_start3A_389 = arith.constant 0 : i32
      %dma_start3A_390 = tpu.memref_slice %arg4[%add3A_375, %dma_start3A_388, %dma_start3A_389] : memref<4096x56x128xf32, #tpu.memory_space<hbm>> -> memref<1x50x64xf32, #tpu.memory_space<hbm>>
      %dma_start3A_391 = tpu.memref_squeeze %dma_start3A_390 : memref<1x50x64xf32, #tpu.memory_space<hbm>> -> memref<50x64xf32, #tpu.memory_space<hbm>>
      %dma_start3A_392 = arith.constant 0 : i32
      %dma_start3A_393 = arith.constant 0 : i32
      %dma_start3A_394 = tpu.memref_slice %arg6[%dma_start3A_376, %dma_start3A_392, %dma_start3A_393] : memref<8x50x64xf32, #tpu.memory_space<vmem>> -> memref<1x50x64xf32, #tpu.memory_space<vmem>>
      %dma_start3A_395 = tpu.memref_squeeze %dma_start3A_394 : memref<1x50x64xf32, #tpu.memory_space<vmem>> -> memref<50x64xf32, #tpu.memory_space<vmem>>
      tpu.enqueue_dma source(%dma_start3A_395 : memref<50x64xf32, #tpu.memory_space<vmem>>) target(%dma_start3A_391 : memref<50x64xf32, #tpu.memory_space<hbm>>) target_semaphore(%dma_start3A_387 : memref<!tpu.dma_semaphore, #tpu.memory_space<semaphore_mem>>)
      %dma_wait3A_396 = arith.constant 7 : i32
      %dma_wait3A_397 = arith.constant 7 : i32
      %dma_wait3A_398 = arith.constant 0 : i32
      %dma_wait3A_399 = arith.constant 0 : i32
      %dma_wait3A_400 = tpu.memref_slice %arg6[%dma_wait3A_396, %dma_wait3A_398, %dma_wait3A_399] : memref<8x50x64xf32, #tpu.memory_space<vmem>> -> memref<1x50x64xf32, #tpu.memory_space<vmem>>
      %dma_wait3A_401 = tpu.memref_squeeze %dma_wait3A_400 : memref<1x50x64xf32, #tpu.memory_space<vmem>> -> memref<50x64xf32, #tpu.memory_space<vmem>>
      %dma_wait3A_402 = arith.constant 0 : i32
      %dma_wait3A_403 = tpu.memref_slice %arg5[%add3A_123, %dma_wait3A_402] : memref<128x50xi32, #tpu.memory_space<vmem>> -> memref<1x50xi32, #tpu.memory_space<vmem>>
      %dma_wait3A_404 = tpu.memref_squeeze %dma_wait3A_403 : memref<1x50xi32, #tpu.memory_space<vmem>> -> memref<50xi32, #tpu.memory_space<vmem>>
      %dma_wait3A_405 = arith.constant 0 : i32
      %dma_wait3A_406 = arith.constant 0 : i32
      %dma_wait3A_407 = tpu.memref_slice %arg2[%dma_wait3A_405, %dma_wait3A_406] : memref<1000000x64xf32, #tpu.memory_space<hbm>> -> memref<1000000x64xf32, #tpu.memory_space<hbm>>
      %dma_wait3A_408 = tpu.memref_slice %arg7[%dma_wait3A_397] : memref<8x!tpu.dma_semaphore, #tpu.memory_space<semaphore_mem>> -> memref<1x!tpu.dma_semaphore, #tpu.memory_space<semaphore_mem>>
      %dma_wait3A_409 = tpu.memref_squeeze %dma_wait3A_408 : memref<1x!tpu.dma_semaphore, #tpu.memory_space<semaphore_mem>> -> memref<!tpu.dma_semaphore, #tpu.memory_space<semaphore_mem>>
      tpu.wait_indirect_dma semaphore(%dma_wait3A_409 : memref<!tpu.dma_semaphore, #tpu.memory_space<semaphore_mem>>) src(%dma_wait3A_407 : memref<1000000x64xf32, #tpu.memory_space<hbm>>) dst(%dma_wait3A_401 : memref<50x64xf32, #tpu.memory_space<vmem>>)
      %add3A_410 = arith.addi %mul3A_2, %mul3A_10 : i32
      %add3A_411 = arith.constant 7 : i32
      %add3A_412 = arith.addi %add3A_410, %add3A_411 : i32
      %dma_start3A_413 = arith.constant 7 : i32
      %dma_start3A_414 = arith.constant 7 : i32
      %dma_start3A_415 = arith.constant 0 : i32
      %dma_start3A_416 = arith.constant 0 : i32
      %dma_start3A_417 = tpu.memref_slice %arg6[%dma_start3A_413, %dma_start3A_415, %dma_start3A_416] : memref<8x50x64xf32, #tpu.memory_space<vmem>> -> memref<1x50x64xf32, #tpu.memory_space<vmem>>
      %dma_start3A_418 = tpu.memref_squeeze %dma_start3A_417 : memref<1x50x64xf32, #tpu.memory_space<vmem>> -> memref<50x64xf32, #tpu.memory_space<vmem>>
      %dma_start3A_419 = arith.constant 0 : i32
      %dma_start3A_420 = arith.constant 0 : i32
      %dma_start3A_421 = tpu.memref_slice %arg4[%add3A_412, %dma_start3A_419, %dma_start3A_420] : memref<4096x56x128xf32, #tpu.memory_space<hbm>> -> memref<1x50x64xf32, #tpu.memory_space<hbm>>
      %dma_start3A_422 = tpu.memref_squeeze %dma_start3A_421 : memref<1x50x64xf32, #tpu.memory_space<hbm>> -> memref<50x64xf32, #tpu.memory_space<hbm>>
      %dma_start3A_423 = tpu.memref_slice %arg8[%dma_start3A_414] : memref<8x!tpu.dma_semaphore, #tpu.memory_space<semaphore_mem>> -> memref<1x!tpu.dma_semaphore, #tpu.memory_space<semaphore_mem>>
      %dma_start3A_424 = tpu.memref_squeeze %dma_start3A_423 : memref<1x!tpu.dma_semaphore, #tpu.memory_space<semaphore_mem>> -> memref<!tpu.dma_semaphore, #tpu.memory_space<semaphore_mem>>
      %dma_start3A_425 = arith.constant 0 : i32
      %dma_start3A_426 = arith.constant 0 : i32
      %dma_start3A_427 = tpu.memref_slice %arg4[%add3A_412, %dma_start3A_425, %dma_start3A_426] : memref<4096x56x128xf32, #tpu.memory_space<hbm>> -> memref<1x50x64xf32, #tpu.memory_space<hbm>>
      %dma_start3A_428 = tpu.memref_squeeze %dma_start3A_427 : memref<1x50x64xf32, #tpu.memory_space<hbm>> -> memref<50x64xf32, #tpu.memory_space<hbm>>
      %dma_start3A_429 = arith.constant 0 : i32
      %dma_start3A_430 = arith.constant 0 : i32
      %dma_start3A_431 = tpu.memref_slice %arg6[%dma_start3A_413, %dma_start3A_429, %dma_start3A_430] : memref<8x50x64xf32, #tpu.memory_space<vmem>> -> memref<1x50x64xf32, #tpu.memory_space<vmem>>
      %dma_start3A_432 = tpu.memref_squeeze %dma_start3A_431 : memref<1x50x64xf32, #tpu.memory_space<vmem>> -> memref<50x64xf32, #tpu.memory_space<vmem>>
      tpu.enqueue_dma source(%dma_start3A_432 : memref<50x64xf32, #tpu.memory_space<vmem>>) target(%dma_start3A_428 : memref<50x64xf32, #tpu.memory_space<hbm>>) target_semaphore(%dma_start3A_424 : memref<!tpu.dma_semaphore, #tpu.memory_space<semaphore_mem>>)
      %dma_wait3A_433 = arith.constant 0 : i32
      %dma_wait3A_434 = arith.constant 0 : i32
      %dma_wait3A_435 = arith.constant 0 : i32
      %dma_wait3A_436 = arith.constant 0 : i32
      %dma_wait3A_437 = tpu.memref_slice %arg6[%dma_wait3A_433, %dma_wait3A_435, %dma_wait3A_436] : memref<8x50x64xf32, #tpu.memory_space<vmem>> -> memref<1x50x64xf32, #tpu.memory_space<vmem>>
      %dma_wait3A_438 = tpu.memref_squeeze %dma_wait3A_437 : memref<1x50x64xf32, #tpu.memory_space<vmem>> -> memref<50x64xf32, #tpu.memory_space<vmem>>
      %dma_wait3A_439 = arith.constant 0 : i32
      %dma_wait3A_440 = arith.constant 0 : i32
      %dma_wait3A_441 = tpu.memref_slice %arg4[%add3A_153, %dma_wait3A_439, %dma_wait3A_440] : memref<4096x56x128xf32, #tpu.memory_space<hbm>> -> memref<1x50x64xf32, #tpu.memory_space<hbm>>
      %dma_wait3A_442 = tpu.memref_squeeze %dma_wait3A_441 : memref<1x50x64xf32, #tpu.memory_space<hbm>> -> memref<50x64xf32, #tpu.memory_space<hbm>>
      %dma_wait3A_443 = tpu.memref_slice %arg8[%dma_wait3A_434] : memref<8x!tpu.dma_semaphore, #tpu.memory_space<semaphore_mem>> -> memref<1x!tpu.dma_semaphore, #tpu.memory_space<semaphore_mem>>
      %dma_wait3A_444 = tpu.memref_squeeze %dma_wait3A_443 : memref<1x!tpu.dma_semaphore, #tpu.memory_space<semaphore_mem>> -> memref<!tpu.dma_semaphore, #tpu.memory_space<semaphore_mem>>
      %dma_wait3A_445 = arith.constant 0 : i32
      %dma_wait3A_446 = arith.constant 0 : i32
      %dma_wait3A_447 = tpu.memref_slice %arg4[%add3A_153, %dma_wait3A_445, %dma_wait3A_446] : memref<4096x56x128xf32, #tpu.memory_space<hbm>> -> memref<1x50x64xf32, #tpu.memory_space<hbm>>
      %dma_wait3A_448 = tpu.memref_squeeze %dma_wait3A_447 : memref<1x50x64xf32, #tpu.memory_space<hbm>> -> memref<50x64xf32, #tpu.memory_space<hbm>>
      %dma_wait3A_449 = arith.constant 0 : i32
      %dma_wait3A_450 = arith.constant 0 : i32
      %dma_wait3A_451 = tpu.memref_slice %arg6[%dma_wait3A_433, %dma_wait3A_449, %dma_wait3A_450] : memref<8x50x64xf32, #tpu.memory_space<vmem>> -> memref<1x50x64xf32, #tpu.memory_space<vmem>>
      %dma_wait3A_452 = tpu.memref_squeeze %dma_wait3A_451 : memref<1x50x64xf32, #tpu.memory_space<vmem>> -> memref<50x64xf32, #tpu.memory_space<vmem>>
      tpu.wait_dma2 semaphore(%dma_wait3A_444 : memref<!tpu.dma_semaphore, #tpu.memory_space<semaphore_mem>>) src(%dma_wait3A_452 : memref<50x64xf32, #tpu.memory_space<vmem>>) dst(%dma_wait3A_448 : memref<50x64xf32, #tpu.memory_space<hbm>>)
      %dma_wait3A_453 = arith.constant 1 : i32
      %dma_wait3A_454 = arith.constant 1 : i32
      %dma_wait3A_455 = arith.constant 0 : i32
      %dma_wait3A_456 = arith.constant 0 : i32
      %dma_wait3A_457 = tpu.memref_slice %arg6[%dma_wait3A_453, %dma_wait3A_455, %dma_wait3A_456] : memref<8x50x64xf32, #tpu.memory_space<vmem>> -> memref<1x50x64xf32, #tpu.memory_space<vmem>>
      %dma_wait3A_458 = tpu.memref_squeeze %dma_wait3A_457 : memref<1x50x64xf32, #tpu.memory_space<vmem>> -> memref<50x64xf32, #tpu.memory_space<vmem>>
      %dma_wait3A_459 = arith.constant 0 : i32
      %dma_wait3A_460 = arith.constant 0 : i32
      %dma_wait3A_461 = tpu.memref_slice %arg4[%add3A_190, %dma_wait3A_459, %dma_wait3A_460] : memref<4096x56x128xf32, #tpu.memory_space<hbm>> -> memref<1x50x64xf32, #tpu.memory_space<hbm>>
      %dma_wait3A_462 = tpu.memref_squeeze %dma_wait3A_461 : memref<1x50x64xf32, #tpu.memory_space<hbm>> -> memref<50x64xf32, #tpu.memory_space<hbm>>
      %dma_wait3A_463 = tpu.memref_slice %arg8[%dma_wait3A_454] : memref<8x!tpu.dma_semaphore, #tpu.memory_space<semaphore_mem>> -> memref<1x!tpu.dma_semaphore, #tpu.memory_space<semaphore_mem>>
      %dma_wait3A_464 = tpu.memref_squeeze %dma_wait3A_463 : memref<1x!tpu.dma_semaphore, #tpu.memory_space<semaphore_mem>> -> memref<!tpu.dma_semaphore, #tpu.memory_space<semaphore_mem>>
      %dma_wait3A_465 = arith.constant 0 : i32
      %dma_wait3A_466 = arith.constant 0 : i32
      %dma_wait3A_467 = tpu.memref_slice %arg4[%add3A_190, %dma_wait3A_465, %dma_wait3A_466] : memref<4096x56x128xf32, #tpu.memory_space<hbm>> -> memref<1x50x64xf32, #tpu.memory_space<hbm>>
      %dma_wait3A_468 = tpu.memref_squeeze %dma_wait3A_467 : memref<1x50x64xf32, #tpu.memory_space<hbm>> -> memref<50x64xf32, #tpu.memory_space<hbm>>
      %dma_wait3A_469 = arith.constant 0 : i32
      %dma_wait3A_470 = arith.constant 0 : i32
      %dma_wait3A_471 = tpu.memref_slice %arg6[%dma_wait3A_453, %dma_wait3A_469, %dma_wait3A_470] : memref<8x50x64xf32, #tpu.memory_space<vmem>> -> memref<1x50x64xf32, #tpu.memory_space<vmem>>
      %dma_wait3A_472 = tpu.memref_squeeze %dma_wait3A_471 : memref<1x50x64xf32, #tpu.memory_space<vmem>> -> memref<50x64xf32, #tpu.memory_space<vmem>>
      tpu.wait_dma2 semaphore(%dma_wait3A_464 : memref<!tpu.dma_semaphore, #tpu.memory_space<semaphore_mem>>) src(%dma_wait3A_472 : memref<50x64xf32, #tpu.memory_space<vmem>>) dst(%dma_wait3A_468 : memref<50x64xf32, #tpu.memory_space<hbm>>)
      %dma_wait3A_473 = arith.constant 2 : i32
      %dma_wait3A_474 = arith.constant 2 : i32
      %dma_wait3A_475 = arith.constant 0 : i32
      %dma_wait3A_476 = arith.constant 0 : i32
      %dma_wait3A_477 = tpu.memref_slice %arg6[%dma_wait3A_473, %dma_wait3A_475, %dma_wait3A_476] : memref<8x50x64xf32, #tpu.memory_space<vmem>> -> memref<1x50x64xf32, #tpu.memory_space<vmem>>
      %dma_wait3A_478 = tpu.memref_squeeze %dma_wait3A_477 : memref<1x50x64xf32, #tpu.memory_space<vmem>> -> memref<50x64xf32, #tpu.memory_space<vmem>>
      %dma_wait3A_479 = arith.constant 0 : i32
      %dma_wait3A_480 = arith.constant 0 : i32
      %dma_wait3A_481 = tpu.memref_slice %arg4[%add3A_227, %dma_wait3A_479, %dma_wait3A_480] : memref<4096x56x128xf32, #tpu.memory_space<hbm>> -> memref<1x50x64xf32, #tpu.memory_space<hbm>>
      %dma_wait3A_482 = tpu.memref_squeeze %dma_wait3A_481 : memref<1x50x64xf32, #tpu.memory_space<hbm>> -> memref<50x64xf32, #tpu.memory_space<hbm>>
      %dma_wait3A_483 = tpu.memref_slice %arg8[%dma_wait3A_474] : memref<8x!tpu.dma_semaphore, #tpu.memory_space<semaphore_mem>> -> memref<1x!tpu.dma_semaphore, #tpu.memory_space<semaphore_mem>>
      %dma_wait3A_484 = tpu.memref_squeeze %dma_wait3A_483 : memref<1x!tpu.dma_semaphore, #tpu.memory_space<semaphore_mem>> -> memref<!tpu.dma_semaphore, #tpu.memory_space<semaphore_mem>>
      %dma_wait3A_485 = arith.constant 0 : i32
      %dma_wait3A_486 = arith.constant 0 : i32
      %dma_wait3A_487 = tpu.memref_slice %arg4[%add3A_227, %dma_wait3A_485, %dma_wait3A_486] : memref<4096x56x128xf32, #tpu.memory_space<hbm>> -> memref<1x50x64xf32, #tpu.memory_space<hbm>>
      %dma_wait3A_488 = tpu.memref_squeeze %dma_wait3A_487 : memref<1x50x64xf32, #tpu.memory_space<hbm>> -> memref<50x64xf32, #tpu.memory_space<hbm>>
      %dma_wait3A_489 = arith.constant 0 : i32
      %dma_wait3A_490 = arith.constant 0 : i32
      %dma_wait3A_491 = tpu.memref_slice %arg6[%dma_wait3A_473, %dma_wait3A_489, %dma_wait3A_490] : memref<8x50x64xf32, #tpu.memory_space<vmem>> -> memref<1x50x64xf32, #tpu.memory_space<vmem>>
      %dma_wait3A_492 = tpu.memref_squeeze %dma_wait3A_491 : memref<1x50x64xf32, #tpu.memory_space<vmem>> -> memref<50x64xf32, #tpu.memory_space<vmem>>
      tpu.wait_dma2 semaphore(%dma_wait3A_484 : memref<!tpu.dma_semaphore, #tpu.memory_space<semaphore_mem>>) src(%dma_wait3A_492 : memref<50x64xf32, #tpu.memory_space<vmem>>) dst(%dma_wait3A_488 : memref<50x64xf32, #tpu.memory_space<hbm>>)
      %dma_wait3A_493 = arith.constant 3 : i32
      %dma_wait3A_494 = arith.constant 3 : i32
      %dma_wait3A_495 = arith.constant 0 : i32
      %dma_wait3A_496 = arith.constant 0 : i32
      %dma_wait3A_497 = tpu.memref_slice %arg6[%dma_wait3A_493, %dma_wait3A_495, %dma_wait3A_496] : memref<8x50x64xf32, #tpu.memory_space<vmem>> -> memref<1x50x64xf32, #tpu.memory_space<vmem>>
      %dma_wait3A_498 = tpu.memref_squeeze %dma_wait3A_497 : memref<1x50x64xf32, #tpu.memory_space<vmem>> -> memref<50x64xf32, #tpu.memory_space<vmem>>
      %dma_wait3A_499 = arith.constant 0 : i32
      %dma_wait3A_500 = arith.constant 0 : i32
      %dma_wait3A_501 = tpu.memref_slice %arg4[%add3A_264, %dma_wait3A_499, %dma_wait3A_500] : memref<4096x56x128xf32, #tpu.memory_space<hbm>> -> memref<1x50x64xf32, #tpu.memory_space<hbm>>
      %dma_wait3A_502 = tpu.memref_squeeze %dma_wait3A_501 : memref<1x50x64xf32, #tpu.memory_space<hbm>> -> memref<50x64xf32, #tpu.memory_space<hbm>>
      %dma_wait3A_503 = tpu.memref_slice %arg8[%dma_wait3A_494] : memref<8x!tpu.dma_semaphore, #tpu.memory_space<semaphore_mem>> -> memref<1x!tpu.dma_semaphore, #tpu.memory_space<semaphore_mem>>
      %dma_wait3A_504 = tpu.memref_squeeze %dma_wait3A_503 : memref<1x!tpu.dma_semaphore, #tpu.memory_space<semaphore_mem>> -> memref<!tpu.dma_semaphore, #tpu.memory_space<semaphore_mem>>
      %dma_wait3A_505 = arith.constant 0 : i32
      %dma_wait3A_506 = arith.constant 0 : i32
      %dma_wait3A_507 = tpu.memref_slice %arg4[%add3A_264, %dma_wait3A_505, %dma_wait3A_506] : memref<4096x56x128xf32, #tpu.memory_space<hbm>> -> memref<1x50x64xf32, #tpu.memory_space<hbm>>
      %dma_wait3A_508 = tpu.memref_squeeze %dma_wait3A_507 : memref<1x50x64xf32, #tpu.memory_space<hbm>> -> memref<50x64xf32, #tpu.memory_space<hbm>>
      %dma_wait3A_509 = arith.constant 0 : i32
      %dma_wait3A_510 = arith.constant 0 : i32
      %dma_wait3A_511 = tpu.memref_slice %arg6[%dma_wait3A_493, %dma_wait3A_509, %dma_wait3A_510] : memref<8x50x64xf32, #tpu.memory_space<vmem>> -> memref<1x50x64xf32, #tpu.memory_space<vmem>>
      %dma_wait3A_512 = tpu.memref_squeeze %dma_wait3A_511 : memref<1x50x64xf32, #tpu.memory_space<vmem>> -> memref<50x64xf32, #tpu.memory_space<vmem>>
      tpu.wait_dma2 semaphore(%dma_wait3A_504 : memref<!tpu.dma_semaphore, #tpu.memory_space<semaphore_mem>>) src(%dma_wait3A_512 : memref<50x64xf32, #tpu.memory_space<vmem>>) dst(%dma_wait3A_508 : memref<50x64xf32, #tpu.memory_space<hbm>>)
      %dma_wait3A_513 = arith.constant 4 : i32
      %dma_wait3A_514 = arith.constant 4 : i32
      %dma_wait3A_515 = arith.constant 0 : i32
      %dma_wait3A_516 = arith.constant 0 : i32
      %dma_wait3A_517 = tpu.memref_slice %arg6[%dma_wait3A_513, %dma_wait3A_515, %dma_wait3A_516] : memref<8x50x64xf32, #tpu.memory_space<vmem>> -> memref<1x50x64xf32, #tpu.memory_space<vmem>>
      %dma_wait3A_518 = tpu.memref_squeeze %dma_wait3A_517 : memref<1x50x64xf32, #tpu.memory_space<vmem>> -> memref<50x64xf32, #tpu.memory_space<vmem>>
      %dma_wait3A_519 = arith.constant 0 : i32
      %dma_wait3A_520 = arith.constant 0 : i32
      %dma_wait3A_521 = tpu.memref_slice %arg4[%add3A_301, %dma_wait3A_519, %dma_wait3A_520] : memref<4096x56x128xf32, #tpu.memory_space<hbm>> -> memref<1x50x64xf32, #tpu.memory_space<hbm>>
      %dma_wait3A_522 = tpu.memref_squeeze %dma_wait3A_521 : memref<1x50x64xf32, #tpu.memory_space<hbm>> -> memref<50x64xf32, #tpu.memory_space<hbm>>
      %dma_wait3A_523 = tpu.memref_slice %arg8[%dma_wait3A_514] : memref<8x!tpu.dma_semaphore, #tpu.memory_space<semaphore_mem>> -> memref<1x!tpu.dma_semaphore, #tpu.memory_space<semaphore_mem>>
      %dma_wait3A_524 = tpu.memref_squeeze %dma_wait3A_523 : memref<1x!tpu.dma_semaphore, #tpu.memory_space<semaphore_mem>> -> memref<!tpu.dma_semaphore, #tpu.memory_space<semaphore_mem>>
      %dma_wait3A_525 = arith.constant 0 : i32
      %dma_wait3A_526 = arith.constant 0 : i32
      %dma_wait3A_527 = tpu.memref_slice %arg4[%add3A_301, %dma_wait3A_525, %dma_wait3A_526] : memref<4096x56x128xf32, #tpu.memory_space<hbm>> -> memref<1x50x64xf32, #tpu.memory_space<hbm>>
      %dma_wait3A_528 = tpu.memref_squeeze %dma_wait3A_527 : memref<1x50x64xf32, #tpu.memory_space<hbm>> -> memref<50x64xf32, #tpu.memory_space<hbm>>
      %dma_wait3A_529 = arith.constant 0 : i32
      %dma_wait3A_530 = arith.constant 0 : i32
      %dma_wait3A_531 = tpu.memref_slice %arg6[%dma_wait3A_513, %dma_wait3A_529, %dma_wait3A_530] : memref<8x50x64xf32, #tpu.memory_space<vmem>> -> memref<1x50x64xf32, #tpu.memory_space<vmem>>
      %dma_wait3A_532 = tpu.memref_squeeze %dma_wait3A_531 : memref<1x50x64xf32, #tpu.memory_space<vmem>> -> memref<50x64xf32, #tpu.memory_space<vmem>>
      tpu.wait_dma2 semaphore(%dma_wait3A_524 : memref<!tpu.dma_semaphore, #tpu.memory_space<semaphore_mem>>) src(%dma_wait3A_532 : memref<50x64xf32, #tpu.memory_space<vmem>>) dst(%dma_wait3A_528 : memref<50x64xf32, #tpu.memory_space<hbm>>)
      %dma_wait3A_533 = arith.constant 5 : i32
      %dma_wait3A_534 = arith.constant 5 : i32
      %dma_wait3A_535 = arith.constant 0 : i32
      %dma_wait3A_536 = arith.constant 0 : i32
      %dma_wait3A_537 = tpu.memref_slice %arg6[%dma_wait3A_533, %dma_wait3A_535, %dma_wait3A_536] : memref<8x50x64xf32, #tpu.memory_space<vmem>> -> memref<1x50x64xf32, #tpu.memory_space<vmem>>
      %dma_wait3A_538 = tpu.memref_squeeze %dma_wait3A_537 : memref<1x50x64xf32, #tpu.memory_space<vmem>> -> memref<50x64xf32, #tpu.memory_space<vmem>>
      %dma_wait3A_539 = arith.constant 0 : i32
      %dma_wait3A_540 = arith.constant 0 : i32
      %dma_wait3A_541 = tpu.memref_slice %arg4[%add3A_338, %dma_wait3A_539, %dma_wait3A_540] : memref<4096x56x128xf32, #tpu.memory_space<hbm>> -> memref<1x50x64xf32, #tpu.memory_space<hbm>>
      %dma_wait3A_542 = tpu.memref_squeeze %dma_wait3A_541 : memref<1x50x64xf32, #tpu.memory_space<hbm>> -> memref<50x64xf32, #tpu.memory_space<hbm>>
      %dma_wait3A_543 = tpu.memref_slice %arg8[%dma_wait3A_534] : memref<8x!tpu.dma_semaphore, #tpu.memory_space<semaphore_mem>> -> memref<1x!tpu.dma_semaphore, #tpu.memory_space<semaphore_mem>>
      %dma_wait3A_544 = tpu.memref_squeeze %dma_wait3A_543 : memref<1x!tpu.dma_semaphore, #tpu.memory_space<semaphore_mem>> -> memref<!tpu.dma_semaphore, #tpu.memory_space<semaphore_mem>>
      %dma_wait3A_545 = arith.constant 0 : i32
      %dma_wait3A_546 = arith.constant 0 : i32
      %dma_wait3A_547 = tpu.memref_slice %arg4[%add3A_338, %dma_wait3A_545, %dma_wait3A_546] : memref<4096x56x128xf32, #tpu.memory_space<hbm>> -> memref<1x50x64xf32, #tpu.memory_space<hbm>>
      %dma_wait3A_548 = tpu.memref_squeeze %dma_wait3A_547 : memref<1x50x64xf32, #tpu.memory_space<hbm>> -> memref<50x64xf32, #tpu.memory_space<hbm>>
      %dma_wait3A_549 = arith.constant 0 : i32
      %dma_wait3A_550 = arith.constant 0 : i32
      %dma_wait3A_551 = tpu.memref_slice %arg6[%dma_wait3A_533, %dma_wait3A_549, %dma_wait3A_550] : memref<8x50x64xf32, #tpu.memory_space<vmem>> -> memref<1x50x64xf32, #tpu.memory_space<vmem>>
      %dma_wait3A_552 = tpu.memref_squeeze %dma_wait3A_551 : memref<1x50x64xf32, #tpu.memory_space<vmem>> -> memref<50x64xf32, #tpu.memory_space<vmem>>
      tpu.wait_dma2 semaphore(%dma_wait3A_544 : memref<!tpu.dma_semaphore, #tpu.memory_space<semaphore_mem>>) src(%dma_wait3A_552 : memref<50x64xf32, #tpu.memory_space<vmem>>) dst(%dma_wait3A_548 : memref<50x64xf32, #tpu.memory_space<hbm>>)
      %dma_wait3A_553 = arith.constant 6 : i32
      %dma_wait3A_554 = arith.constant 6 : i32
      %dma_wait3A_555 = arith.constant 0 : i32
      %dma_wait3A_556 = arith.constant 0 : i32
      %dma_wait3A_557 = tpu.memref_slice %arg6[%dma_wait3A_553, %dma_wait3A_555, %dma_wait3A_556] : memref<8x50x64xf32, #tpu.memory_space<vmem>> -> memref<1x50x64xf32, #tpu.memory_space<vmem>>
      %dma_wait3A_558 = tpu.memref_squeeze %dma_wait3A_557 : memref<1x50x64xf32, #tpu.memory_space<vmem>> -> memref<50x64xf32, #tpu.memory_space<vmem>>
      %dma_wait3A_559 = arith.constant 0 : i32
      %dma_wait3A_560 = arith.constant 0 : i32
      %dma_wait3A_561 = tpu.memref_slice %arg4[%add3A_375, %dma_wait3A_559, %dma_wait3A_560] : memref<4096x56x128xf32, #tpu.memory_space<hbm>> -> memref<1x50x64xf32, #tpu.memory_space<hbm>>
      %dma_wait3A_562 = tpu.memref_squeeze %dma_wait3A_561 : memref<1x50x64xf32, #tpu.memory_space<hbm>> -> memref<50x64xf32, #tpu.memory_space<hbm>>
      %dma_wait3A_563 = tpu.memref_slice %arg8[%dma_wait3A_554] : memref<8x!tpu.dma_semaphore, #tpu.memory_space<semaphore_mem>> -> memref<1x!tpu.dma_semaphore, #tpu.memory_space<semaphore_mem>>
      %dma_wait3A_564 = tpu.memref_squeeze %dma_wait3A_563 : memref<1x!tpu.dma_semaphore, #tpu.memory_space<semaphore_mem>> -> memref<!tpu.dma_semaphore, #tpu.memory_space<semaphore_mem>>
      %dma_wait3A_565 = arith.constant 0 : i32
      %dma_wait3A_566 = arith.constant 0 : i32
      %dma_wait3A_567 = tpu.memref_slice %arg4[%add3A_375, %dma_wait3A_565, %dma_wait3A_566] : memref<4096x56x128xf32, #tpu.memory_space<hbm>> -> memref<1x50x64xf32, #tpu.memory_space<hbm>>
      %dma_wait3A_568 = tpu.memref_squeeze %dma_wait3A_567 : memref<1x50x64xf32, #tpu.memory_space<hbm>> -> memref<50x64xf32, #tpu.memory_space<hbm>>
      %dma_wait3A_569 = arith.constant 0 : i32
      %dma_wait3A_570 = arith.constant 0 : i32
      %dma_wait3A_571 = tpu.memref_slice %arg6[%dma_wait3A_553, %dma_wait3A_569, %dma_wait3A_570] : memref<8x50x64xf32, #tpu.memory_space<vmem>> -> memref<1x50x64xf32, #tpu.memory_space<vmem>>
      %dma_wait3A_572 = tpu.memref_squeeze %dma_wait3A_571 : memref<1x50x64xf32, #tpu.memory_space<vmem>> -> memref<50x64xf32, #tpu.memory_space<vmem>>
      tpu.wait_dma2 semaphore(%dma_wait3A_564 : memref<!tpu.dma_semaphore, #tpu.memory_space<semaphore_mem>>) src(%dma_wait3A_572 : memref<50x64xf32, #tpu.memory_space<vmem>>) dst(%dma_wait3A_568 : memref<50x64xf32, #tpu.memory_space<hbm>>)
      %dma_wait3A_573 = arith.constant 7 : i32
      %dma_wait3A_574 = arith.constant 7 : i32
      %dma_wait3A_575 = arith.constant 0 : i32
      %dma_wait3A_576 = arith.constant 0 : i32
      %dma_wait3A_577 = tpu.memref_slice %arg6[%dma_wait3A_573, %dma_wait3A_575, %dma_wait3A_576] : memref<8x50x64xf32, #tpu.memory_space<vmem>> -> memref<1x50x64xf32, #tpu.memory_space<vmem>>
      %dma_wait3A_578 = tpu.memref_squeeze %dma_wait3A_577 : memref<1x50x64xf32, #tpu.memory_space<vmem>> -> memref<50x64xf32, #tpu.memory_space<vmem>>
      %dma_wait3A_579 = arith.constant 0 : i32
      %dma_wait3A_580 = arith.constant 0 : i32
      %dma_wait3A_581 = tpu.memref_slice %arg4[%add3A_412, %dma_wait3A_579, %dma_wait3A_580] : memref<4096x56x128xf32, #tpu.memory_space<hbm>> -> memref<1x50x64xf32, #tpu.memory_space<hbm>>
      %dma_wait3A_582 = tpu.memref_squeeze %dma_wait3A_581 : memref<1x50x64xf32, #tpu.memory_space<hbm>> -> memref<50x64xf32, #tpu.memory_space<hbm>>
      %dma_wait3A_583 = tpu.memref_slice %arg8[%dma_wait3A_574] : memref<8x!tpu.dma_semaphore, #tpu.memory_space<semaphore_mem>> -> memref<1x!tpu.dma_semaphore, #tpu.memory_space<semaphore_mem>>
      %dma_wait3A_584 = tpu.memref_squeeze %dma_wait3A_583 : memref<1x!tpu.dma_semaphore, #tpu.memory_space<semaphore_mem>> -> memref<!tpu.dma_semaphore, #tpu.memory_space<semaphore_mem>>
      %dma_wait3A_585 = arith.constant 0 : i32
      %dma_wait3A_586 = arith.constant 0 : i32
      %dma_wait3A_587 = tpu.memref_slice %arg4[%add3A_412, %dma_wait3A_585, %dma_wait3A_586] : memref<4096x56x128xf32, #tpu.memory_space<hbm>> -> memref<1x50x64xf32, #tpu.memory_space<hbm>>
      %dma_wait3A_588 = tpu.memref_squeeze %dma_wait3A_587 : memref<1x50x64xf32, #tpu.memory_space<hbm>> -> memref<50x64xf32, #tpu.memory_space<hbm>>
      %dma_wait3A_589 = arith.constant 0 : i32
      %dma_wait3A_590 = arith.constant 0 : i32
      %dma_wait3A_591 = tpu.memref_slice %arg6[%dma_wait3A_573, %dma_wait3A_589, %dma_wait3A_590] : memref<8x50x64xf32, #tpu.memory_space<vmem>> -> memref<1x50x64xf32, #tpu.memory_space<vmem>>
      %dma_wait3A_592 = tpu.memref_squeeze %dma_wait3A_591 : memref<1x50x64xf32, #tpu.memory_space<vmem>> -> memref<50x64xf32, #tpu.memory_space<vmem>>
      tpu.wait_dma2 semaphore(%dma_wait3A_584 : memref<!tpu.dma_semaphore, #tpu.memory_space<semaphore_mem>>) src(%dma_wait3A_592 : memref<50x64xf32, #tpu.memory_space<vmem>>) dst(%dma_wait3A_588 : memref<50x64xf32, #tpu.memory_space<hbm>>)
    }
    %scan3A_7 = arith.constant 16 : i32
    return
  }
}

</mosaic_0001>

<sc_bundles>
// kernel: kernel.3.cloned.1.call-start
scs
__scs_entry_jumppad:
0x0: {  	(pc) =	sbr.rel $0x88, $3  }
0x1: {  	(tag) =	ssettag $0x0;
	lr =	simm.s32 $0x1  }
0x2: {  	[smem:$0x3F9F] =	sst lr;
	_ =	strace $0xD0000000  }
0x3: {  	_ = 	snop  }
0x4: {  	_ = 	snop  }
0x5: {  	_ = 	snop  }
0x6: {  	_ = 	snop  }
0x7: {  	_ = 	snop  }
__scs_overlays_trampoline_lowered:
0x8: {  	[smem:$0x3FAE] =	sst s0  }
0x9: {  	[smem:$0x3FAF] =	sst s1  }
0xa: {  	[smem:$0x3FB0] =	sst s2  }
0xb: {  	[smem:$0x3FB1] =	sst s3  }
0xc: {  	[smem:$0x3FB2] =	sst s4  }
0xd: {  	[smem:$0x3FB3] =	sst s5  }
0xe: {  	[smem:$0x3FB4] =	sst s6  }
0xf: {  	[smem:$0x3FB5] =	sst s7  }
0x10: {  	[smem:$0x3FB6] =	sst s8  }
0x11: {  	[smem:$0x3FB7] =	sst s9;
	s0 =	simm.s32 @!p0 $0x0  }
0x12: {  	s1 =	sld [smem:$0x3F9D];
	s0 =	simm.s32 @p0 $0x1  }
0x13: {  	[smem:$0x3FB8] =	sst s0;
	s0 =	simm.s32 @!p1 $0x0  }
0x14: {  	s2 =	sld [smem:$0x3F9C];
	s0 =	simm.s32 @p1 $0x1  }
0x15: {  	[smem:$0x3FB9] =	sst s0;
	s0 =	simm.s32 @!p2 $0x0  }
0x16: {  	s3 =	sld [smem:$0x3FDB];
	s0 =	simm.s32 @p2 $0x1  }
0x17: {  	s4 =	simm.s32 $0x1BF5;
	[smem:$0x3FBB] =	sst s0  }
0x18: {  	s0 =	sld [smem:$0x3F9E];
	_ =	swait.ge [sflag:s4], $0x0  }
0x19: {  	s7 =	sld [smem:$0x3F9F]  }
0x1a: {  	s8 =	sadd.s32 $0xFFFFE003, lr  }
0x1b: {  	s9 =	sadd.s32 $0xFFFFFEF7, lr;
	s5 =	simm.s32 $0xFFFFFFFF;
	p2 =	slt.u32 s8, $0xFFFFF086  }
0x1c: {  	p1 =	slt.u32 s9, $0xF7A;
	s5 =	simm.s32 @!p2 $0x0  }
0x1d: {  	s5 =	simm.s32 @p1 $0x1;
	p0 =	seq.s32 s7, s2  }
0x1e: {  	s7 =	smul.u32 @!p0 $0xF7A, s2;
	p2 =	seq.s32 @!p0 s5, $0x0  }
0x1f: {  	s9 =	smul.u32 $0xF7A, s1;
	s8 =	simm.s32 @!p0 $0x1BF5;
	p2 =	por !p2, p0  }
0x20: {  	[sflag:s8] =	ssyncset.s32 @!p0 $0xFFFFF086;
	s6 =	sadd.s32 @!p0 s3, s7;
	s7 =	simm.s32 @!p0 $0x108  }
0x21: {  	s3 =	sadd.s32 s3, s9;
	s6 =	sadd.s32 @!p0 $0x88, s6;
	s7 =	simm.s32 @p2 $0x1082  }
0x22: {  	[simem:s7], [sflag:s8] =	dma.local @!p0 [hbm:s6], $0xF7A  }
0x23: {  	s9 =	sor.u32 $0xD0000000, s2;
	s6 =	simm.s32 $0x108;
	_ =	swait.ge @!p0 [sflag:s8], $0x0  }
0x24: {  	s3 =	sadd.s32 $0x88, s3;
	s6 =	simm.s32 @!p1 $0x1082;
	[sflag:s4] =	ssyncset.s32 $0xFFFFF086  }
0x25: {  	[simem:s6], [sflag:s4] =	dma.local [hbm:s3], $0xF7A  }
0x26: {  	[smem:$0x3F9F] =	sst s1;
	(tag) =	ssettag s2;
	_ =	strace s9  }
0x27: {  	s1 =	sld [smem:$0x3FAF]  }
0x28: {  	s2 =	sld [smem:$0x3FB0]  }
0x29: {  	s4 =	sld [smem:$0x3FB2]  }
0x2a: {  	p0 =	seq.s32 s5, $0x0;
	s5 =	sld [smem:$0x3FB3]  }
0x2b: {  	s6 =	sld [smem:$0x3FB4]  }
0x2c: {  	s7 =	sld [smem:$0x3FB5]  }
0x2d: {  	s3 =	simm.s32 $0x108;
	s8 =	sld [smem:$0x3FB6]  }
0x2e: {  	s3 =	simm.s32 @!p0 $0x1082;
	s9 =	sld [smem:$0x3FB7]  }
0x2f: {  	lr =	sadd.s32 s0, s3;
	s0 =	sld [smem:$0x3FAE]  }
0x30: {  	s3 =	sld [smem:$0x3FB1]  }
0x31: {  	[smem:$0x3FBA] =	sst s10  }
0x32: {  	s10 =	sld [smem:$0x3FB8];
	_ =	sdelay $0x3  }
0x33: {  	p0 =	seq.s32 s10, $0x1;
	s10 =	sld [smem:$0x3FBA];
	_ =	sdelay $0x3  }
0x34: {  	[smem:$0x3FBA] =	sst s10  }
0x35: {  	s10 =	sld [smem:$0x3FB9];
	_ =	sdelay $0x3  }
0x36: {  	p1 =	seq.s32 s10, $0x1;
	s10 =	sld [smem:$0x3FBA];
	_ =	sdelay $0x3  }
0x37: {  	[smem:$0x3FBA] =	sst s10  }
0x38: {  	s10 =	sld [smem:$0x3FBB]  }
0x39: {  	_ = 	snop;
	(pc) =	sbr.ind lr, $3  }
0x3a: {  	_ = 	snop  }
0x3b: {  	_ = 	snop  }
0x3c: {  	p2 =	seq.s32 s10, $0x1;
	s10 =	sld [smem:$0x3FBA]  }
0x3d: {  	_ =	shalt  }
0x3e: {  	_ =	shalt  }
0x3f: {  	_ =	shalt  }
0x40: {  	_ =	shalt  }
0x41: {  	_ =	shalt  }
0x42: {  	_ =	shalt  }
0x43: {  	_ =	shalt  }
0x44: {  	_ =	shalt  }
0x45: {  	_ =	shalt  }
0x46: {  	_ =	shalt  }
0x47: {  	_ =	shalt  }
0x48: {  	_ =	shalt  }
0x49: {  	_ =	shalt  }
0x4a: {  	_ =	shalt  }
0x4b: {  	_ =	shalt  }
0x4c: {  	_ =	shalt  }
0x4d: {  	_ =	shalt  }
0x4e: {  	_ =	shalt  }
0x4f: {  	_ =	shalt  }
0x50: {  	_ =	shalt  }
0x51: {  	_ =	shalt  }
0x52: {  	_ =	shalt  }
0x53: {  	_ =	shalt  }
0x54: {  	_ =	shalt  }
0x55: {  	_ =	shalt  }
0x56: {  	_ =	shalt  }
0x57: {  	_ =	shalt  }
0x58: {  	_ =	shalt  }
0x59: {  	_ =	shalt  }
0x5a: {  	_ =	shalt  }
0x5b: {  	_ =	shalt  }
0x5c: {  	_ =	shalt  }
0x5d: {  	_ =	shalt  }
0x5e: {  	_ =	shalt  }
0x5f: {  	_ =	shalt  }
0x60: {  	_ =	shalt  }
0x61: {  	_ =	shalt  }
0x62: {  	_ =	shalt  }
0x63: {  	_ =	shalt  }
0x64: {  	_ =	shalt  }
0x65: {  	_ =	shalt  }
0x66: {  	_ =	shalt  }
0x67: {  	_ =	shalt  }
0x68: {  	_ =	shalt  }
0x69: {  	_ =	shalt  }
0x6a: {  	_ =	shalt  }
0x6b: {  	_ =	shalt  }
0x6c: {  	_ =	shalt  }
0x6d: {  	_ =	shalt  }
0x6e: {  	_ =	shalt  }
0x6f: {  	_ =	shalt  }
0x70: {  	_ =	shalt  }
0x71: {  	_ =	shalt  }
0x72: {  	_ =	shalt  }
0x73: {  	_ =	shalt  }
0x74: {  	_ =	shalt  }
0x75: {  	_ =	shalt  }
0x76: {  	_ =	shalt  }
0x77: {  	_ =	shalt  }
0x78: {  	_ =	shalt  }
0x79: {  	_ =	shalt  }
0x7a: {  	_ =	shalt  }
0x7b: {  	_ =	shalt  }
0x7c: {  	_ =	shalt  }
0x7d: {  	_ =	shalt  }
0x7e: {  	_ =	shalt  }
0x7f: {  	_ =	shalt  }
0x80: {  	_ =	shalt  }
0x81: {  	_ =	shalt  }
0x82: {  	_ =	shalt  }
0x83: {  	_ =	shalt  }
0x84: {  	_ =	shalt  }
0x85: {  	_ =	shalt  }
0x86: {  	_ =	shalt  }
0x87: {  	_ =	shalt  }
.Lfunc_end0:
.L_simem_size_0:
called_computation.1_lowered:
.L_overlay_start_0:
0x88: {  	s2 =	sld [smem:$0x3FD9]  }
0x89: {  	s3 =	sld [smem:$0x3FFE];
	_ =	sdelay $0x1  }
0x8a: {  	s1 =	srdreg.scid  }
0x8b: {  	s0 =	sand.u32 $0x1, s1  }
0x8c: {  	s17 =	sshll.u32 s0, $0xA;
	s2 =	sadd.s32 s3, s2  }
0x8d: {  	s2 =	sadd.s32 s2, s17  }
0x8e: {  	[smem:$0x3FC6] =	sst s2  }
0x8f: {  	_ = 	snop  }
0x90: {  	s2 =	sld [smem:$0x3FD0];
	(tm) =	ssettm $0x1  }
0x91: {  	s18 =	sld [smem:$0x3FFB];
	_ =	sdelay $0x3  }
0x92: {  	_ =	strace s18  }
0x93: {  	s3 =	sld [smem:$0x3FFC];
	_ =	sdelay $0x3  }
0x94: {  	_ =	strace s3  }
0x95: {  	s3 =	sld [smem:$0x3FFD];
	_ =	sdelay $0x3  }
0x96: {  	_ =	strace s3  }
0x97: {  	_ =	strace $0x8FFFFFFF  }
0x98: {  	s19 =	sld [smem:$0x3FDB];
	_ =	sdelay $0x1  }
0x99: {  	s4 =	simm.s32 $_scs_section_size  }
0x9a: {  	s5 =	simm.s32 $_size__tile_overlayer_lowered;
	s6 =	simm.s32 $_tile_overlayer_lowered  }
0x9b: {  	s22 =	simm.s32 $0x1BFF;
	s21 =	sshll.u32 s6, $0x1;
	s3 =	sadd.s32 s4, s19  }
0x9c: {  	s7 =	simm.s32 $0x0;
	s20 =	sshll.u32 s5, $0x1;
	s5 =	sadd.s32 s21, s3  }
0x9d: {  	[timem:s7], [sflag:s22] =	dma.local [hbm:s5], s20  }
0x9e: {  	_ =	swait.ge [sflag:s22], s20  }
0x9f: {  	s4 =	ssub.s32 $0x0, s20;
	[sflag:s22] =	ssyncset.done $0x0  }
0xa0: {  	[sflag:s22] =	ssyncadd.s32 s4;
	_ =	sdelay $0x1  }
0xa1: {  	s23 =	simm.s32 $0x1B8B  }
0xa2: {  	_ =	swait.ge [sflag:s23], $0x1  }
0xa3: {  	[sflag:s23] =	ssyncset.done $0x0  }
0xa4: {  	s25 =	simm.s32 $0x1B8E;
	s24 =	sld [smem:$0x3FFE];
	[sflag:s23] =	ssyncadd.s32 $0xFFFFFFFF  }
0xa5: {  	s26 =	simm.s32 $execute0_lowered;
	[smem:$0x3FD2] =	sst s25  }
0xa6: {  	s5 =	sshll.u32 s26, $0x1;
	_ =	strace $0x80000046;
	[dreg:$0x1] =	wrdreg $0xFFFFFFFF  }
0xa7: {  	s28 =	simm.s32 $_size_execute0_lowered;
	s3 =	sadd.s32 s3, s5;
	[dreg:$0x0] =	wrdreg $0x0  }
0xa8: {  	s5 =	sshll.u32 s28, $0x1;
	[dreg:$0x2] =	wrdreg s3  }
0xa9: {  	[dreg:$0x3] =	wrdreg s5  }
0xaa: {  	[dreg:$0x4] =	wrdreg $0xC0  }
0xab: {  	_ =	task [dreg:s7], $0x5FFFF  }
0xac: {  	[dreg:$0x1] =	wrdreg $0xFFFFFFFF  }
0xad: {  	[dreg:$0x0] =	wrdreg $0x60  }
0xae: {  	[dreg:$0x2] =	wrdreg s24  }
0xaf: {  	[dreg:$0x3] =	wrdreg s2  }
0xb0: {  	[dreg:$0x4] =	wrdreg $0x9  }
0xb1: {  	_ =	task.clear_ibuf [dreg:s7], $0x5FFFF;
	_ =	strace $0x90000046  }
0xb2: {  	s29 =	simm.s32 $0x9;
	_ =	strace $0x80000048  }
0xb3: {  	_ =	swait.ge [sflag:s29], $0x1  }
0xb4: {  	[sflag:s29] =	ssyncadd.s32 $0xFFFFFFFF  }
0xb5: {  	_ =	strace $0x90000048  }
0xb6: {  	_ =	sfence  }
0xb7: {  	s30 =	sld [smem:$0x0];
	_ =	sdelay $0x2  }
0xb8: {  	s31 =	sshll.u32 s1, $0xD;
	s1 =	sshrl.u32 s1, $0x2  }
0xb9: {  	s3 =	sand.u32 $0x4000, s31;
	s1 =	sadd.s32 s1, s30  }
0xba: {  	s0 =	sor.u32 s3, s0;
	s1 =	sshll.u32 s1, $0x11  }
0xbb: {  	s0 =	sor.u32 s1, s0  }
0xbc: {  	s0 =	sadd.s32 $0x8F2B, s0  }
0xbd: {  	[sflag:s0] =	ssyncadd.remote.s32 $0x1  }
0xbe: {  	_ =	sfence.sel $0xFFFF  }
0xbf: {  	[dreg:$0x0] =	wrdreg $0xFFFFFFFF;
	(pc) =	sbr.abs _section_cstart, $3  }
0xc0: {  	[dreg:$0x1] =	wrdreg $0xFFFFFFFF  }
0xc1: {  	_ =	task.clear_ibuf [dreg:s7], $0x2FFFF;
	_ =	strace $0x9FFFFFFF  }
0xc2: {  	(tm) =	ssettm $0x7FFFFFFF  }
0xc3: {  	_ =	shalt  }
tec
execute0_lowered:
.L_overlay_start_1:
0x0: {  	(tag) =	ssettag $0x1  }
0x1: {  	s0 =	rddreg [dreg:$0x0]  }
0x2: {  	s1 =	rddreg [dreg:$0x1]  }
0x3: {  	s2 =	srdreg.scid;
	s8 =	stileid.u32  }
0x4: {  	s3 =	simm.s32 $0x0;
	s28 =	simm.s32 $0x9;
	s29 =	simm.s32 $0xA  }
0x5: {  	s30 =	simm.s32 $0xB;
	s31 =	simm.s32 $0xC;
	s2 =	sand.u32 $0x1, s2  }
0x6: {  	s4 =	smul.u32 $0x1C0000, s8;
	[smem:$0x7FF] =	sst s3;
	s3 =	sadd.s32 $0xF42E00, s0  }
0x7: {  	s0 =	sadd.s32 $0xA00, s0;
	s13 =	sshll.u32 s8, $0x8;
	s24 =	smul.u32 $0x38000, s8  }
0x8: {  	s8 =	simm.s32 $0x32;
	s5 =	ssub.s32 $0x2, s2;
	s6 =	smul.u32 $0xE0000, s2  }
0x9: {  	s14 =	sshll.u32 s2, $0x7;
	s2 =	smul.u32 $0x1C000, s2;
	s7 =	sshrl.u32 s5, $0x1  }
0xa: {  	_ =	strace $0x80000047;
	[dreg:$0xa] =	wrdreg s0;
	s12 =	ssub.s32 s5, s7  }
0xb: {  	s4 =	sadd.s32 s6, s4;
	s5 =	sor.u32 s14, s13;
	s26 =	sadd.s32 s2, s24  }
0xc: {  	s24 =	simm.s32 $0x6;
	s2 =	simm.s32 $0xF;
	s15 =	sor.u32 $0xC400, s4  }
0xd: {  	s17 =	sor.u32 $0xA800, s4;
	s19 =	sor.u32 $0x8C00, s4;
	s21 =	sor.u32 $0x7000, s4  }
0xe: {  	s5 =	smul.u32 $0x7, s5;
	s23 =	sor.u32 $0x5400, s4;
	s4 =	sor.u32 $0x3800, s4  }
0xf: {  	s0 =	smax.u32 s12, $0x1;
	[dreg:$0x9] =	wrdreg s26;
	s26 =	simm.s32 $0x8  }
0x10: {  	s16 =	sshrl.u32 s15, $0x3;
	s18 =	sshrl.u32 s17, $0x3;
	[dreg:$0xc] =	wrdreg s0  }
0x11: {  	s20 =	sshrl.u32 s19, $0x3;
	s22 =	sshrl.u32 s21, $0x3;
	[dreg:$0x3] =	wrdreg s16  }
0x12: {  	s6 =	sshrl.u32 s23, $0x3;
	s25 =	sshrl.u32 s4, $0x3;
	[dreg:$0x4] =	wrdreg s18  }
0x13: {  	s19 =	simm.s32 $0x80;
	s21 =	simm.s32 $0x3;
	[dreg:$0x5] =	wrdreg s20  }
0x14: {  	s23 =	simm.s32 $0x5;
	s0 =	simm.s32 $0xD;
	[dreg:$0x6] =	wrdreg s22  }
0x15: {  	s17 =	simm.s32 $0x6700;
	s1 =	sadd.s32 s1, s5;
	[dreg:$0x7] =	wrdreg s6  }
0x16: {  	[dreg:$0x8] =	wrdreg s25;
	s18 =	simm.s32 $0x40;
	s22 =	simm.s32 $0x4  }
0x17: {  	s25 =	simm.s32 $0x7;
	s5 =	simm.s32 $0x10;
	s6 =	simm.s32 $0x0  }
0x18: {  	s20 =	simm.s32 $0x1;
	[dreg:$0xb] =	wrdreg s1;
	s1 =	simm.s32 $0xE  }
.LBB2_1:
0x19: {  	[dreg:$0xd] =	wrdreg s6  }
0x1a: {  	s4 =	simm.s32 $0x0;
	s7 =	rddreg [dreg:$0xb];
	s9 =	simm.s32 $0x11  }
0x1b: {  	[tilespmem:s4], [sflag:$0x11] =	stream.linear.gather [hbm4b:s7+s4], $0x1C00, $0x38;
	[tilespmem:$0x8000] =	vst v63  }
0x1c: {  	_ =	swait.ge [sflag:s9], $0x1C00  }
0x1d: {  	[sflag:s9] =	ssyncset.done $0x0  }
0x1e: {  	s10 =	simm.s32 $0x0;
	s6 =	simm.s32 $0x1C00;
	[sflag:s9] =	ssyncadd.s32 $0xFFFFE400  }
0x1f: {  	[tilespmem:s6], [sflag:$0x1] =	stream.indirect.gather [hbm4b:s3+s8], $0x40, s10, s8, $0xb8;
	[tilespmem:$0x8000] =	vst v63  }
0x20: {  	s11 =	simm.s32 $0x38;
	s9 =	simm.s32 $0x2880  }
0x21: {  	[tilespmem:s9], [sflag:$0x2] =	stream.indirect.gather [hbm4b:s3+s8], $0x40, s11, s8, $0xb8;
	[tilespmem:$0x8000] =	vst v63  }
0x22: {  	s12 =	simm.s32 $0x70;
	s10 =	simm.s32 $0x3500  }
0x23: {  	[tilespmem:s10], [sflag:$0x3] =	stream.indirect.gather [hbm4b:s3+s8], $0x40, s12, s8, $0xb8;
	[tilespmem:$0x8000] =	vst v63  }
0x24: {  	s13 =	simm.s32 $0xA8;
	s11 =	simm.s32 $0x4180  }
0x25: {  	[tilespmem:s11], [sflag:$0x4] =	stream.indirect.gather [hbm4b:s3+s8], $0x40, s13, s8, $0xb8;
	[tilespmem:$0x8000] =	vst v63  }
0x26: {  	s14 =	simm.s32 $0xE0;
	s12 =	simm.s32 $0x4E00  }
0x27: {  	[tilespmem:s12], [sflag:$0x5] =	stream.indirect.gather [hbm4b:s3+s8], $0x40, s14, s8, $0xb8;
	[tilespmem:$0x8000] =	vst v63  }
0x28: {  	s15 =	simm.s32 $0x118;
	s13 =	simm.s32 $0x5A80  }
0x29: {  	[tilespmem:s13], [sflag:$0x6] =	stream.indirect.gather [hbm4b:s3+s8], $0x40, s15, s8, $0xb8;
	[tilespmem:$0x8000] =	vst v63  }
0x2a: {  	s16 =	simm.s32 $0x150;
	s14 =	simm.s32 $0x6700  }
0x2b: {  	[tilespmem:s14], [sflag:$0x7] =	stream.indirect.gather [hbm4b:s3+s8], $0x40, s16, s8, $0xb8;
	[tilespmem:$0x8000] =	vst v63  }
0x2c: {  	s7 =	simm.s32 $0x188;
	s15 =	simm.s32 $0x7380  }
0x2d: {  	[tilespmem:s15], [sflag:$0x8] =	stream.indirect.gather [hbm4b:s3+s8], $0x40, s7, s8, $0xb8;
	[tilespmem:$0x8000] =	vst v63  }
0x2e: {  	s7 =	simm.s32 $0x1  }
0x2f: {  	_ =	swait.ge [sflag:s7], $0xC80  }
0x30: {  	s16 =	rddreg [dreg:$0x9];
	[sflag:s7] =	ssyncset.done $0x0  }
0x31: {  	[sflag:s7] =	ssyncadd.s32 $0xFFFFF380;
	s7 =	rddreg [dreg:$0xa]  }
0x32: {  	s4 =	sadd.s32 s7, s16;
	s16 =	simm.s32 $0x2  }
0x33: {  	[hbm4b:s4+s18] =	stream.strided.scatter [tilespmem:s6], [sflag:$0x9], $0xC80, s19, s18, $0x38;
	[tilespmem:$0x8000] =	vst v63  }
0x34: {  	_ =	swait.ge [sflag:s16], $0xC80  }
0x35: {  	[sflag:s16] =	ssyncset.done $0x0  }
0x36: {  	s4 =	sadd.s32 $0x380, s4;
	[sflag:s16] =	ssyncadd.s32 $0xFFFFF380  }
0x37: {  	[hbm4b:s4+s18] =	stream.strided.scatter [tilespmem:s9], [sflag:$0xA], $0xC80, s19, s18, $0x38;
	[tilespmem:$0x8000] =	vst v63  }
0x38: {  	_ =	swait.ge [sflag:s21], $0xC80  }
0x39: {  	s9 =	rddreg [dreg:$0x8];
	[sflag:s21] =	ssyncset.done $0x0  }
0x3a: {  	[sflag:s21] =	ssyncadd.s32 $0xFFFFF380;
	s4 =	sadd.s32 s7, s9  }
0x3b: {  	[hbm4b:s4+s18] =	stream.strided.scatter [tilespmem:s10], [sflag:$0xB], $0xC80, s19, s18, $0x38;
	[tilespmem:$0x8000] =	vst v63  }
0x3c: {  	_ =	swait.ge [sflag:s22], $0xC80  }
0x3d: {  	s10 =	rddreg [dreg:$0x7];
	[sflag:s22] =	ssyncset.done $0x0  }
0x3e: {  	[sflag:s22] =	ssyncadd.s32 $0xFFFFF380;
	s4 =	sadd.s32 s7, s10  }
0x3f: {  	[hbm4b:s4+s18] =	stream.strided.scatter [tilespmem:s11], [sflag:$0xC], $0xC80, s19, s18, $0x38;
	[tilespmem:$0x8000] =	vst v63  }
0x40: {  	_ =	swait.ge [sflag:s23], $0xC80  }
0x41: {  	s11 =	rddreg [dreg:$0x6];
	[sflag:s23] =	ssyncset.done $0x0  }
0x42: {  	[sflag:s23] =	ssyncadd.s32 $0xFFFFF380;
	s4 =	sadd.s32 s7, s11  }
0x43: {  	[hbm4b:s4+s18] =	stream.strided.scatter [tilespmem:s12], [sflag:$0xD], $0xC80, s19, s18, $0x38;
	[tilespmem:$0x8000] =	vst v63  }
0x44: {  	_ =	swait.ge [sflag:s24], $0xC80  }
0x45: {  	s12 =	rddreg [dreg:$0x5];
	[sflag:s24] =	ssyncset.done $0x0  }
0x46: {  	[sflag:s24] =	ssyncadd.s32 $0xFFFFF380;
	s4 =	sadd.s32 s7, s12  }
0x47: {  	[hbm4b:s4+s18] =	stream.strided.scatter [tilespmem:s13], [sflag:$0xE], $0xC80, s19, s18, $0x38;
	[tilespmem:$0x8000] =	vst v63  }
0x48: {  	_ =	swait.ge [sflag:s25], $0xC80  }
0x49: {  	s13 =	rddreg [dreg:$0x4];
	[sflag:s25] =	ssyncset.done $0x0  }
0x4a: {  	[sflag:s25] =	ssyncadd.s32 $0xFFFFF380;
	s4 =	sadd.s32 s7, s13  }
0x4b: {  	[hbm4b:s4+s18] =	stream.strided.scatter [tilespmem:s14], [sflag:$0xF], $0xC80, s19, s18, $0x38;
	[tilespmem:$0x8000] =	vst v63  }
0x4c: {  	_ =	swait.ge [sflag:s26], $0xC80  }
0x4d: {  	s16 =	rddreg [dreg:$0x3];
	[sflag:s26] =	ssyncset.done $0x0  }
0x4e: {  	[sflag:s26] =	ssyncadd.s32 $0xFFFFF380;
	s4 =	sadd.s32 s7, s16  }
0x4f: {  	[hbm4b:s4+s18] =	stream.strided.scatter [tilespmem:s15], [sflag:$0x10], $0xC80, s19, s18, $0x38;
	[tilespmem:$0x8000] =	vst v63  }
0x50: {  	_ =	swait.ge [sflag:s28], $0xC80  }
0x51: {  	[sflag:s28] =	ssyncset.done $0x0  }
0x52: {  	[sflag:s28] =	ssyncadd.s32 $0xFFFFF380  }
0x53: {  	_ =	swait.ge [sflag:s29], $0xC80  }
0x54: {  	[sflag:s29] =	ssyncset.done $0x0  }
0x55: {  	[sflag:s29] =	ssyncadd.s32 $0xFFFFF380  }
0x56: {  	_ =	swait.ge [sflag:s30], $0xC80  }
0x57: {  	[sflag:s30] =	ssyncset.done $0x0  }
0x58: {  	[sflag:s30] =	ssyncadd.s32 $0xFFFFF380  }
0x59: {  	_ =	swait.ge [sflag:s31], $0xC80  }
0x5a: {  	[sflag:s31] =	ssyncset.done $0x0  }
0x5b: {  	[sflag:s31] =	ssyncadd.s32 $0xFFFFF380  }
0x5c: {  	_ =	swait.ge [sflag:s0], $0xC80  }
0x5d: {  	[sflag:s0] =	ssyncset.done $0x0  }
0x5e: {  	[sflag:s0] =	ssyncadd.s32 $0xFFFFF380  }
0x5f: {  	_ =	swait.ge [sflag:s1], $0xC80  }
0x60: {  	[sflag:s1] =	ssyncset.done $0x0  }
0x61: {  	[sflag:s1] =	ssyncadd.s32 $0xFFFFF380  }
0x62: {  	_ =	swait.ge [sflag:s2], $0xC80  }
0x63: {  	[sflag:s2] =	ssyncset.done $0x0  }
0x64: {  	[sflag:s2] =	ssyncadd.s32 $0xFFFFF380  }
0x65: {  	s6 =	simm.s32 $0xE00;
	_ =	swait.ge [sflag:s5], $0xC80  }
0x66: {  	s7 =	sadd.s32 $0x1C00, s7;
	s4 =	simm.s32 $0x700;
	[sflag:s5] =	ssyncset.done $0x0  }
.LBB2_2:
0x67: {  	s10 =	sshra.s32 s4, $0x2;
	[sflag:s5] =	ssyncadd.s32 $0xFFFFF380;
	s11 =	simm.s32 $0x1C00  }
0x68: {  	[tilespmem:s11], [sflag:$0x1] =	stream.indirect.gather [hbm4b:s3+s8], $0x40, s10, s8, $0xb8;
	[tilespmem:$0x8000] =	vst v63  }
0x69: {  	s12 =	simm.s32 $0x2880;
	s13 =	sadd.s32 $0x38, s10  }
0x6a: {  	[tilespmem:s12], [sflag:$0x2] =	stream.indirect.gather [hbm4b:s3+s8], $0x40, s13, s8, $0xb8;
	[tilespmem:$0x8000] =	vst v63  }
0x6b: {  	s14 =	sadd.s32 $0x70, s10;
	s13 =	simm.s32 $0x3500  }
0x6c: {  	[tilespmem:s13], [sflag:$0x3] =	stream.indirect.gather [hbm4b:s3+s8], $0x40, s14, s8, $0xb8;
	[tilespmem:$0x8000] =	vst v63  }
0x6d: {  	s4 =	smov.u32 s6;
	s15 =	sadd.s32 $0xA8, s10;
	s14 =	simm.s32 $0x4180  }
0x6e: {  	[tilespmem:s14], [sflag:$0x4] =	stream.indirect.gather [hbm4b:s3+s8], $0x40, s15, s8, $0xb8;
	[tilespmem:$0x8000] =	vst v63  }
0x6f: {  	s9 =	sadd.s32 $0x700, s6;
	s16 =	sadd.s32 $0xE0, s10;
	s15 =	simm.s32 $0x4E00  }
0x70: {  	[tilespmem:s15], [sflag:$0x5] =	stream.indirect.gather [hbm4b:s3+s8], $0x40, s16, s8, $0xb8;
	[tilespmem:$0x8000] =	vst v63  }
0x71: {  	p0 =	sne.s32 s6, $0x6900;
	s6 =	sadd.s32 $0x118, s10;
	s16 =	simm.s32 $0x5A80  }
0x72: {  	[tilespmem:s16], [sflag:$0x6] =	stream.indirect.gather [hbm4b:s3+s8], $0x40, s6, s8, $0xb8;
	[tilespmem:$0x8000] =	vst v63  }
0x73: {  	s6 =	sadd.s32 $0x150, s10  }
0x74: {  	[tilespmem:s17], [sflag:$0x7] =	stream.indirect.gather [hbm4b:s3+s8], $0x40, s6, s8, $0xb8;
	[tilespmem:$0x8000] =	vst v63  }
0x75: {  	s6 =	sadd.s32 $0x188, s10;
	s10 =	simm.s32 $0x7380  }
0x76: {  	[tilespmem:s10], [sflag:$0x8] =	stream.indirect.gather [hbm4b:s3+s8], $0x40, s6, s8, $0xb8;
	[tilespmem:$0x8000] =	vst v63  }
0x77: {  	_ =	swait.ge [sflag:s20], $0xC80  }
0x78: {  	s6 =	rddreg [dreg:$0x9];
	[sflag:s20] =	ssyncset.done $0x0  }
0x79: {  	[sflag:s20] =	ssyncadd.s32 $0xFFFFF380;
	s6 =	sadd.s32 s7, s6  }
0x7a: {  	[hbm4b:s6+s18] =	stream.strided.scatter [tilespmem:s11], [sflag:$0x9], $0xC80, s19, s18, $0x38;
	[tilespmem:$0x8000] =	vst v63  }
0x7b: {  	s11 =	simm.s32 $0x2  }
0x7c: {  	_ =	swait.ge [sflag:s11], $0xC80  }
0x7d: {  	[sflag:s11] =	ssyncset.done $0x0  }
0x7e: {  	s6 =	sadd.s32 $0x380, s6;
	[sflag:s11] =	ssyncadd.s32 $0xFFFFF380  }
0x7f: {  	[hbm4b:s6+s18] =	stream.strided.scatter [tilespmem:s12], [sflag:$0xA], $0xC80, s19, s18, $0x38;
	[tilespmem:$0x8000] =	vst v63  }
0x80: {  	_ =	swait.ge [sflag:s21], $0xC80  }
0x81: {  	s11 =	rddreg [dreg:$0x8];
	[sflag:s21] =	ssyncset.done $0x0  }
0x82: {  	[sflag:s21] =	ssyncadd.s32 $0xFFFFF380;
	s6 =	sadd.s32 s7, s11  }
0x83: {  	[hbm4b:s6+s18] =	stream.strided.scatter [tilespmem:s13], [sflag:$0xB], $0xC80, s19, s18, $0x38;
	[tilespmem:$0x8000] =	vst v63  }
0x84: {  	_ =	swait.ge [sflag:s22], $0xC80  }
0x85: {  	s12 =	rddreg [dreg:$0x7];
	[sflag:s22] =	ssyncset.done $0x0  }
0x86: {  	[sflag:s22] =	ssyncadd.s32 $0xFFFFF380;
	s6 =	sadd.s32 s7, s12  }
0x87: {  	[hbm4b:s6+s18] =	stream.strided.scatter [tilespmem:s14], [sflag:$0xC], $0xC80, s19, s18, $0x38;
	[tilespmem:$0x8000] =	vst v63  }
0x88: {  	_ =	swait.ge [sflag:s23], $0xC80  }
0x89: {  	s13 =	rddreg [dreg:$0x6];
	[sflag:s23] =	ssyncset.done $0x0  }
0x8a: {  	[sflag:s23] =	ssyncadd.s32 $0xFFFFF380;
	s6 =	sadd.s32 s7, s13  }
0x8b: {  	[hbm4b:s6+s18] =	stream.strided.scatter [tilespmem:s15], [sflag:$0xD], $0xC80, s19, s18, $0x38;
	[tilespmem:$0x8000] =	vst v63  }
0x8c: {  	_ =	swait.ge [sflag:s24], $0xC80  }
0x8d: {  	s14 =	rddreg [dreg:$0x5];
	[sflag:s24] =	ssyncset.done $0x0  }
0x8e: {  	[sflag:s24] =	ssyncadd.s32 $0xFFFFF380;
	s6 =	sadd.s32 s7, s14  }
0x8f: {  	[hbm4b:s6+s18] =	stream.strided.scatter [tilespmem:s16], [sflag:$0xE], $0xC80, s19, s18, $0x38;
	[tilespmem:$0x8000] =	vst v63  }
0x90: {  	_ =	swait.ge [sflag:s25], $0xC80  }
0x91: {  	s15 =	rddreg [dreg:$0x4];
	[sflag:s25] =	ssyncset.done $0x0  }
0x92: {  	[sflag:s25] =	ssyncadd.s32 $0xFFFFF380;
	s6 =	sadd.s32 s7, s15  }
0x93: {  	[hbm4b:s6+s18] =	stream.strided.scatter [tilespmem:s17], [sflag:$0xF], $0xC80, s19, s18, $0x38;
	[tilespmem:$0x8000] =	vst v63  }
0x94: {  	_ =	swait.ge [sflag:s26], $0xC80  }
0x95: {  	s16 =	rddreg [dreg:$0x3];
	[sflag:s26] =	ssyncset.done $0x0  }
0x96: {  	[sflag:s26] =	ssyncadd.s32 $0xFFFFF380;
	s6 =	sadd.s32 s7, s16  }
0x97: {  	[hbm4b:s6+s18] =	stream.strided.scatter [tilespmem:s10], [sflag:$0x10], $0xC80, s19, s18, $0x38;
	[tilespmem:$0x8000] =	vst v63  }
0x98: {  	_ =	swait.ge [sflag:s28], $0xC80  }
0x99: {  	[sflag:s28] =	ssyncset.done $0x0  }
0x9a: {  	[sflag:s28] =	ssyncadd.s32 $0xFFFFF380  }
0x9b: {  	_ =	swait.ge [sflag:s29], $0xC80  }
0x9c: {  	[sflag:s29] =	ssyncset.done $0x0  }
0x9d: {  	[sflag:s29] =	ssyncadd.s32 $0xFFFFF380  }
0x9e: {  	_ =	swait.ge [sflag:s30], $0xC80  }
0x9f: {  	[sflag:s30] =	ssyncset.done $0x0  }
0xa0: {  	[sflag:s30] =	ssyncadd.s32 $0xFFFFF380  }
0xa1: {  	_ =	swait.ge [sflag:s31], $0xC80  }
0xa2: {  	[sflag:s31] =	ssyncset.done $0x0  }
0xa3: {  	[sflag:s31] =	ssyncadd.s32 $0xFFFFF380  }
0xa4: {  	_ =	swait.ge [sflag:s0], $0xC80  }
0xa5: {  	[sflag:s0] =	ssyncset.done $0x0  }
0xa6: {  	[sflag:s0] =	ssyncadd.s32 $0xFFFFF380  }
0xa7: {  	_ =	swait.ge [sflag:s1], $0xC80  }
0xa8: {  	[sflag:s1] =	ssyncset.done $0x0  }
0xa9: {  	[sflag:s1] =	ssyncadd.s32 $0xFFFFF380  }
.Ltmp0:
0xaa: {  	_ =	swait.ge [sflag:s2], $0xC80;
	(pc) =	sbr.rel @p0 .LBB2_2-.Ltmp0, $4  }
0xab: {  	[sflag:s2] =	ssyncset.done $0x0  }
0xac: {  	[sflag:s2] =	ssyncadd.s32 $0xFFFFF380  }
0xad: {  	_ =	swait.ge [sflag:s5], $0xC80  }
0xae: {  	s7 =	sadd.s32 $0x1C00, s7;
	s6 =	smov.u32 s9;
	[sflag:s5] =	ssyncset.done $0x0  }
0xaf: {  	s4 =	sshra.s32 s4, $0x2;
	[sflag:s5] =	ssyncadd.s32 $0xFFFFF380;
	s9 =	simm.s32 $0x1C00  }
0xb0: {  	[tilespmem:s9], [sflag:$0x1] =	stream.indirect.gather [hbm4b:s3+s8], $0x40, s4, s8, $0xb8;
	[tilespmem:$0x8000] =	vst v63  }
0xb1: {  	s10 =	simm.s32 $0x2880;
	s6 =	sadd.s32 $0x38, s4  }
0xb2: {  	[tilespmem:s10], [sflag:$0x2] =	stream.indirect.gather [hbm4b:s3+s8], $0x40, s6, s8, $0xb8;
	[tilespmem:$0x8000] =	vst v63  }
0xb3: {  	s11 =	simm.s32 $0x3500;
	s12 =	sadd.s32 $0x70, s4  }
0xb4: {  	[tilespmem:s11], [sflag:$0x3] =	stream.indirect.gather [hbm4b:s3+s8], $0x40, s12, s8, $0xb8;
	[tilespmem:$0x8000] =	vst v63  }
0xb5: {  	s13 =	sadd.s32 $0xA8, s4;
	s12 =	simm.s32 $0x4180  }
0xb6: {  	[tilespmem:s12], [sflag:$0x4] =	stream.indirect.gather [hbm4b:s3+s8], $0x40, s13, s8, $0xb8;
	[tilespmem:$0x8000] =	vst v63  }
0xb7: {  	s14 =	sadd.s32 $0xE0, s4;
	s13 =	simm.s32 $0x4E00  }
0xb8: {  	[tilespmem:s13], [sflag:$0x5] =	stream.indirect.gather [hbm4b:s3+s8], $0x40, s14, s8, $0xb8;
	[tilespmem:$0x8000] =	vst v63  }
0xb9: {  	s15 =	sadd.s32 $0x118, s4;
	s14 =	simm.s32 $0x5A80  }
0xba: {  	[tilespmem:s14], [sflag:$0x6] =	stream.indirect.gather [hbm4b:s3+s8], $0x40, s15, s8, $0xb8;
	[tilespmem:$0x8000] =	vst v63  }
0xbb: {  	s16 =	sadd.s32 $0x150, s4;
	s15 =	simm.s32 $0x6700  }
0xbc: {  	[tilespmem:s15], [sflag:$0x7] =	stream.indirect.gather [hbm4b:s3+s8], $0x40, s16, s8, $0xb8;
	[tilespmem:$0x8000] =	vst v63  }
0xbd: {  	s4 =	sadd.s32 $0x188, s4;
	s6 =	simm.s32 $0x7380;
	s16 =	simm.s32 $0x1  }
0xbe: {  	[tilespmem:s6], [sflag:$0x8] =	stream.indirect.gather [hbm4b:s3+s8], $0x40, s4, s8, $0xb8;
	[tilespmem:$0x8000] =	vst v63  }
0xbf: {  	_ =	swait.ge [sflag:s16], $0xC80  }
0xc0: {  	s4 =	rddreg [dreg:$0x9];
	[sflag:s16] =	ssyncset.done $0x0  }
0xc1: {  	[sflag:s16] =	ssyncadd.s32 $0xFFFFF380;
	s4 =	sadd.s32 s7, s4;
	s16 =	simm.s32 $0x2  }
0xc2: {  	[hbm4b:s4+s18] =	stream.strided.scatter [tilespmem:s9], [sflag:$0x9], $0xC80, s19, s18, $0x38;
	[tilespmem:$0x8000] =	vst v63  }
0xc3: {  	_ =	swait.ge [sflag:s16], $0xC80  }
0xc4: {  	[sflag:s16] =	ssyncset.done $0x0  }
0xc5: {  	s4 =	sadd.s32 $0x380, s4;
	[sflag:s16] =	ssyncadd.s32 $0xFFFFF380  }
0xc6: {  	[hbm4b:s4+s18] =	stream.strided.scatter [tilespmem:s10], [sflag:$0xA], $0xC80, s19, s18, $0x38;
	[tilespmem:$0x8000] =	vst v63  }
0xc7: {  	_ =	swait.ge [sflag:s21], $0xC80  }
0xc8: {  	s9 =	rddreg [dreg:$0x8];
	[sflag:s21] =	ssyncset.done $0x0  }
0xc9: {  	[sflag:s21] =	ssyncadd.s32 $0xFFFFF380;
	s4 =	sadd.s32 s7, s9  }
0xca: {  	[hbm4b:s4+s18] =	stream.strided.scatter [tilespmem:s11], [sflag:$0xB], $0xC80, s19, s18, $0x38;
	[tilespmem:$0x8000] =	vst v63  }
0xcb: {  	_ =	swait.ge [sflag:s22], $0xC80  }
0xcc: {  	s10 =	rddreg [dreg:$0x7];
	[sflag:s22] =	ssyncset.done $0x0  }
0xcd: {  	[sflag:s22] =	ssyncadd.s32 $0xFFFFF380;
	s4 =	sadd.s32 s7, s10  }
0xce: {  	[hbm4b:s4+s18] =	stream.strided.scatter [tilespmem:s12], [sflag:$0xC], $0xC80, s19, s18, $0x38;
	[tilespmem:$0x8000] =	vst v63  }
0xcf: {  	_ =	swait.ge [sflag:s23], $0xC80  }
0xd0: {  	s11 =	rddreg [dreg:$0x6];
	[sflag:s23] =	ssyncset.done $0x0  }
0xd1: {  	[sflag:s23] =	ssyncadd.s32 $0xFFFFF380;
	s4 =	sadd.s32 s7, s11  }
0xd2: {  	[hbm4b:s4+s18] =	stream.strided.scatter [tilespmem:s13], [sflag:$0xD], $0xC80, s19, s18, $0x38;
	[tilespmem:$0x8000] =	vst v63  }
0xd3: {  	_ =	swait.ge [sflag:s24], $0xC80  }
0xd4: {  	s12 =	rddreg [dreg:$0x5];
	[sflag:s24] =	ssyncset.done $0x0  }
0xd5: {  	[sflag:s24] =	ssyncadd.s32 $0xFFFFF380;
	s4 =	sadd.s32 s7, s12  }
0xd6: {  	[hbm4b:s4+s18] =	stream.strided.scatter [tilespmem:s14], [sflag:$0xE], $0xC80, s19, s18, $0x38;
	[tilespmem:$0x8000] =	vst v63  }
0xd7: {  	_ =	swait.ge [sflag:s25], $0xC80  }
0xd8: {  	s13 =	rddreg [dreg:$0x4];
	[sflag:s25] =	ssyncset.done $0x0  }
0xd9: {  	[sflag:s25] =	ssyncadd.s32 $0xFFFFF380;
	s4 =	sadd.s32 s7, s13  }
0xda: {  	[hbm4b:s4+s18] =	stream.strided.scatter [tilespmem:s15], [sflag:$0xF], $0xC80, s19, s18, $0x38;
	[tilespmem:$0x8000] =	vst v63  }
0xdb: {  	_ =	swait.ge [sflag:s26], $0xC80  }
0xdc: {  	s14 =	rddreg [dreg:$0x3];
	[sflag:s26] =	ssyncset.done $0x0  }
0xdd: {  	s4 =	sadd.s32 s7, s14;
	[sflag:s26] =	ssyncadd.s32 $0xFFFFF380  }
0xde: {  	[hbm4b:s4+s18] =	stream.strided.scatter [tilespmem:s6], [sflag:$0x10], $0xC80, s19, s18, $0x38;
	[tilespmem:$0x8000] =	vst v63  }
0xdf: {  	_ =	swait.ge [sflag:s28], $0xC80  }
0xe0: {  	[sflag:s28] =	ssyncset.done $0x0  }
0xe1: {  	[sflag:s28] =	ssyncadd.s32 $0xFFFFF380  }
0xe2: {  	_ =	swait.ge [sflag:s29], $0xC80  }
0xe3: {  	[sflag:s29] =	ssyncset.done $0x0  }
0xe4: {  	[sflag:s29] =	ssyncadd.s32 $0xFFFFF380  }
0xe5: {  	_ =	swait.ge [sflag:s30], $0xC80  }
0xe6: {  	[sflag:s30] =	ssyncset.done $0x0  }
0xe7: {  	[sflag:s30] =	ssyncadd.s32 $0xFFFFF380  }
0xe8: {  	_ =	swait.ge [sflag:s31], $0xC80  }
0xe9: {  	[sflag:s31] =	ssyncset.done $0x0  }
0xea: {  	[sflag:s31] =	ssyncadd.s32 $0xFFFFF380  }
0xeb: {  	_ =	swait.ge [sflag:s0], $0xC80  }
0xec: {  	[sflag:s0] =	ssyncset.done $0x0  }
0xed: {  	[sflag:s0] =	ssyncadd.s32 $0xFFFFF380  }
0xee: {  	_ =	swait.ge [sflag:s1], $0xC80  }
0xef: {  	[sflag:s1] =	ssyncset.done $0x0  }
0xf0: {  	[sflag:s1] =	ssyncadd.s32 $0xFFFFF380  }
0xf1: {  	_ =	swait.ge [sflag:s2], $0xC80  }
0xf2: {  	[sflag:s2] =	ssyncset.done $0x0  }
0xf3: {  	[sflag:s2] =	ssyncadd.s32 $0xFFFFF380  }
0xf4: {  	_ =	swait.ge [sflag:s5], $0xC80  }
0xf5: {  	s15 =	rddreg [dreg:$0xd]  }
0xf6: {  	s16 =	rddreg [dreg:$0xc];
	s6 =	sadd.s32 $0x1, s15  }
0xf7: {  	p0 =	sne.s32 s6, s16  }
.Ltmp1:
0xf8: {  	_ = 	snop;
	(pc) =	sbr.rel @p0 .LBB2_1-.Ltmp1, $3  }
0xf9: {  	_ =	sdelay $0x1  }
0xfa: {  	[sflag:s5] =	ssyncset.done $0x0  }
0xfb: {  	[sflag:s5] =	ssyncadd.s32 $0xFFFFF380  }
0xfc: {  	_ =	sfence.sel $0x180000  }
0xfd: {  	[bflag:$0x0] =	sbarrier.arrive $0xFFFF  }
0xfe: {  	_ =	strace $0x90000047  }
0xff: {  	s0 =	stileid.u32;
	[bflag:$0x2] =	sbarrier.arrive $0xFFFF  }
0x100: {  	p0 =	sne.s32 s0, $0x0;
	s0 =	rddreg [dreg:$0x2]  }
0x101: {  	s0 =	sadd.s32 @!p0 $0x100000, s0  }
0x102: {  	[sflag:s0] =	ssyncadd.tile.s32 @!p0 $0x1;
	_ =	shalt  }
.Lfunc_end2:
_tile_overlayer_lowered:
.L_overlay_start_2:
0x103: {  	(tag) =	ssettag $0x2  }
0x104: {  	s0 =	rddreg [dreg:$0x0];
	s2 =	stileid.u32  }
0x105: {  	s1 =	rddreg [dreg:$0x1];
	p0 =	sne.s32 s2, $0x0  }
0x106: {  	s3 =	rddreg [dreg:$0x2];
	[bflag:$0x3] =	sbarrier.arrive $0xFFFF;
	s2 =	simm.s32 @!p0 $0x1C11  }
0x107: {  	[timem:s3], [sflag:s2] =	dma.local @!p0 [hbm:s0], s1  }
0x108: {  	s0 =	simm.s32 @!p0 $0x11  }
0x109: {  	_ =	swait.ge @!p0 [sflag:s0], s1  }
0x10a: {  	s1 =	ssub.s32 @!p0 $0x0, s1;
	[sflag:s0] =	ssyncset.done @!p0 $0x0  }
0x10b: {  	[sflag:s0] =	ssyncadd.s32 @!p0 s1  }
0x10c: {  	[bflag:$0x3] =	sbarrier.arrive $0xFFFF  }
0x10d: {  	_ =	shalt  }

// kernel: sparse-core-data-format-call.cloned.1.call-start
scs
called_computation_lowered:
.L_overlay_start_0:
0x0: {  	s2 =	sld [smem:$0x3FD9]  }
0x1: {  	s3 =	sld [smem:$0x3FFE];
	_ =	sdelay $0x1  }
0x2: {  	s1 =	srdreg.scid  }
0x3: {  	s0 =	sand.u32 $0x1, s1  }
0x4: {  	s18 =	sshll.u32 s0, $0xA;
	s2 =	sadd.s32 s3, s2  }
0x5: {  	s2 =	sadd.s32 s2, s18  }
0x6: {  	[smem:$0x3FC6] =	sst s2  }
0x7: {  	_ = 	snop  }
0x8: {  	s2 =	sld [smem:$0x3FD0];
	(tm) =	ssettm $0x1  }
0x9: {  	s19 =	sld [smem:$0x3FFB];
	_ =	sdelay $0x3  }
0xa: {  	_ =	strace s19  }
0xb: {  	s3 =	sld [smem:$0x3FFC];
	_ =	sdelay $0x3  }
0xc: {  	_ =	strace s3  }
0xd: {  	s3 =	sld [smem:$0x3FFD];
	_ =	sdelay $0x3  }
0xe: {  	_ =	strace s3  }
0xf: {  	_ =	strace $0x8FFFFFFF  }
0x10: {  	s20 =	sld [smem:$0x3FDB];
	_ =	sdelay $0x1  }
0x11: {  	s4 =	simm.s32 $_scs_section_size  }
0x12: {  	s5 =	simm.s32 $_size__tile_overlayer_lowered;
	s6 =	simm.s32 $_tile_overlayer_lowered  }
0x13: {  	s23 =	simm.s32 $0x1BFF;
	s22 =	sshll.u32 s6, $0x1;
	s3 =	sadd.s32 s4, s20  }
0x14: {  	s7 =	simm.s32 $0x0;
	s21 =	sshll.u32 s5, $0x1;
	s5 =	sadd.s32 s22, s3  }
0x15: {  	[timem:s7], [sflag:s23] =	dma.local [hbm:s5], s21  }
0x16: {  	_ =	swait.ge [sflag:s23], s21  }
0x17: {  	s4 =	ssub.s32 $0x0, s21;
	[sflag:s23] =	ssyncset.done $0x0  }
0x18: {  	[sflag:s23] =	ssyncadd.s32 s4;
	_ =	sdelay $0x1  }
0x19: {  	s24 =	simm.s32 $0x1B8B  }
0x1a: {  	_ =	swait.ge [sflag:s24], $0x1  }
0x1b: {  	[sflag:s24] =	ssyncset.done $0x0  }
0x1c: {  	s26 =	simm.s32 $0x1B8E;
	s25 =	sld [smem:$0x3FFE];
	[sflag:s24] =	ssyncadd.s32 $0xFFFFFFFF  }
0x1d: {  	s27 =	simm.s32 $execute0_lowered;
	[smem:$0x3FD2] =	sst s26  }
0x1e: {  	s5 =	sshll.u32 s27, $0x1;
	_ =	strace $0x80000049;
	[dreg:$0x1] =	wrdreg $0xFFFFFFFF  }
0x1f: {  	s28 =	simm.s32 $_size_execute0_lowered;
	s3 =	sadd.s32 s3, s5;
	[dreg:$0x0] =	wrdreg $0x0  }
0x20: {  	s5 =	sshll.u32 s28, $0x1;
	[dreg:$0x2] =	wrdreg s3  }
0x21: {  	[dreg:$0x3] =	wrdreg s5  }
0x22: {  	[dreg:$0x4] =	wrdreg $0xC0  }
0x23: {  	_ =	task [dreg:s7], $0x5FFFF  }
0x24: {  	[dreg:$0x1] =	wrdreg $0xFFFFFFFF  }
0x25: {  	[dreg:$0x0] =	wrdreg $0x60  }
0x26: {  	[dreg:$0x2] =	wrdreg s25  }
0x27: {  	[dreg:$0x3] =	wrdreg s2  }
0x28: {  	[dreg:$0x4] =	wrdreg $0x9  }
0x29: {  	_ =	task.clear_ibuf [dreg:s7], $0x5FFFF;
	_ =	strace $0x90000049  }
0x2a: {  	s29 =	simm.s32 $0x9;
	_ =	strace $0x8000004B  }
0x2b: {  	_ =	swait.ge [sflag:s29], $0x1  }
0x2c: {  	[sflag:s29] =	ssyncadd.s32 $0xFFFFFFFF  }
0x2d: {  	_ =	strace $0x9000004B  }
0x2e: {  	_ =	sfence  }
0x2f: {  	s30 =	sld [smem:$0x0];
	_ =	sdelay $0x2  }
0x30: {  	s31 =	sshll.u32 s1, $0xD;
	s1 =	sshrl.u32 s1, $0x2  }
0x31: {  	s3 =	sand.u32 $0x4000, s31;
	s1 =	sadd.s32 s1, s30  }
0x32: {  	s0 =	sor.u32 s3, s0;
	s1 =	sshll.u32 s1, $0x11  }
0x33: {  	s0 =	sor.u32 s1, s0  }
0x34: {  	s0 =	sadd.s32 $0x8F2B, s0  }
0x35: {  	[sflag:s0] =	ssyncadd.remote.s32 $0x1  }
0x36: {  	_ =	sfence.sel $0xFFFF  }
0x37: {  	[dreg:$0x0] =	wrdreg $0xFFFFFFFF;
	(pc) =	sbr.abs _section_cstart, $3  }
0x38: {  	[dreg:$0x1] =	wrdreg $0xFFFFFFFF  }
0x39: {  	_ =	task.clear_ibuf [dreg:s7], $0x2FFFF;
	_ =	strace $0x9FFFFFFF  }
0x3a: {  	(tm) =	ssettm $0x7FFFFFFF  }
0x3b: {  	_ =	shalt  }
tec
execute0_lowered:
.L_overlay_start_1:
0x0: {  	(tag) =	ssettag $0x1  }
0x1: {  	s0 =	srdreg.scid  }
0x2: {  	s1 =	sshll.u32 s0, $0x4  }
0x3: {  	s0 =	stileid.u32;
	s1 =	sand.u32 $0x10, s1  }
0x4: {  	s1 =	sor.u32 s0, s1  }
0x5: {  	s6 =	rddreg [dreg:$0x0];
	s4 =	simm.s32 $0x1;
	s2 =	sshll.u32 s1, $0x7  }
0x6: {  	s7 =	simm.s32 $0x2;
	s12 =	simm.s32 $0x0;
	s1 =	ssub.s32 $0x1000, s2  }
0x7: {  	s8 =	simm.s32 $0x8000;
	s13 =	simm.s32 $0x0;
	s3 =	sand.u32 $0xF80, s1  }
0x8: {  	s9 =	simm.s32 $0x0;
	s5 =	sshrl.u32 s1, $0xC;
	p0 =	sne.s32 s3, $0x0  }
.Ltmp0:
0x9: {  	s1 =	rddreg [dreg:$0x2];
	s4 =	simm.s32 @!p0 $0x0;
	(pc) =	sbr.rel .LBB1_1-.Ltmp0, $4  }
0xa: {  	s11 =	simm.s32 $0x0;
	s3 =	rddreg [dreg:$0x1];
	s5 =	sadd.s32 s4, s5  }
0xb: {  	_ =	strace $0x8000004A;
	s4 =	simm.s32 $0x1;
	s5 =	smul.u32 $0x32, s5  }
0xc: {  	s6 =	sadd.s32 $0xA00, s6;
	s10 =	smov.u32 s2;
	[sflag:s4] =	ssyncpa.u1 $0x0  }
0xd: {  	p0 =	por $0x0, $0x0;
	[sflag:s7] =	ssyncpa.u1 $0x0;
	s7 =	sor.u32 $0x1, s5  }
.LBB1_4:
0xe: {  	s16 =	sshll.u32 s13, $0x3;
	s17 =	sand.u32 $0x78, s13  }
0xf: {  	s30 =	sand.u32 $0x7E00, s13;
	s12 =	sshll.u32 s12, $0xF;
	s16 =	sand.u32 $0xC00, s16  }
0x10: {  	[tilespmem:s15+$0x810 ss:$0x81] =	vst.msk $0xffff, v2;
	s31 =	sand.u32 $0x7, s13;
	s16 =	sor.u32 s17, s16;
	s17 =	sadd.s32 s3, s30  }
0x11: {  	[tilespmem:s15+$0x1020 ss:$0x81] =	vst.msk $0xffff, v0;
	s13 =	sshll.u32 s31, $0x12;
	s12 =	sadd.s32 s12, s17;
	s16 =	sshrl.u32 s16, $0x3  }
0x12: {  	[tilespmem:s15+$0x0 ss:$0x81] =	vst.msk $0xffff, v1;
	s13 =	sor.u32 $0x400, s13;
	s12 =	sadd.s32 s16, s12  }
0x13: {  	[hbm4b:s12+s13] =	stream.strided.scatter [tilespmem:s14], [sflag:$0x2], $0x2000, s8, s13, $0x20;
	[tilespmem:$0x8080] =	vst v63  }
.LBB1_5:
0x14: {  	s14 =	sadd.s32 $0x1, s9  }
0x15: {  	s12 =	sadd.s32 $0x1000, s10;
	s16 =	smov.u32 s10;
	p2 =	sgt.s32 s14, $0x31  }
0x16: {  	s16 =	smov.u32 @p2 s12  }
0x17: {  	s14 =	simm.s32 @p2 $0x0;
	p2 =	sgt.s32 s16, $0xFFF  }
0x18: {  	s16 =	smov.u32 @p2 s2;
	p2 =	sne.s32 s11, s7  }
.Ltmp1:
0x19: {  	p1 =	slt.u32 s11, $0x2;
	(pc) =	sbr.rel @!p2 .LBB1_6-.Ltmp1, $4  }
0x1a: {  	s15 =	simm.s32 @!p1 $0x2  }
0x1b: {  	s13 =	smov.u32 s10;
	p0 =	por !p0, !p0;
	_ =	swait.ge @!p1 [sflag:s15], $0x2000  }
0x1c: {  	s12 =	smov.u32 s9;
	[sflag:s15] =	ssyncset.done @!p1 $0x0;
	s9 =	smov.u32 s14  }
0x1d: {  	s11 =	sadd.s32 $0x1, s11;
	[sflag:s15] =	ssyncadd.s32 @!p1 $0xFFFFE000;
	s10 =	smov.u32 s16  }
.LBB1_1:
0x1e: {  	p1 =	sge.u32 s11, s5  }
0x1f: {  	s14 =	sand.u32 @!p1 $0x1FFFFFF, s9  }
0x20: {  	s15 =	smulhi.u32 @!p1 $0x4924925, s14;
	_ =	sdelay $0x1  }
0x21: {  	s15 =	smul.u32 @!p1 $0x38, s15  }
0x22: {  	s16 =	sxor.u32 @!p1 $0xFFFFFFFF, s11;
	s17 =	smul.u32 @!p1 $0x380, s10  }
0x23: {  	s31 =	sadd.s32 $0xFFFFFFFF, s11;
	s16 =	sshll.u32 @!p1 s16, $0xD;
	s14 =	ssub.s32 @!p1 s14, s15  }
0x24: {  	s15 =	sand.u32 @!p1 $0x2000, s16;
	s16 =	sadd.s32 @!p1 s6, s17;
	s14 =	sshll.u32 @!p1 s14, $0x4  }
0x25: {  	s17 =	simm.s32 @!p1 $0x1C00;
	s14 =	sadd.s32 @!p1 s14, s16;
	s16 =	simm.s32 @!p1 $0x40  }
0x26: {  	[tilespmem:s15], [sflag:$0x1] =	stream.strided.gather @!p1 [hbm4b:s14+s16], $0x2000, s17, s16, $0x38;
	[tilespmem:$0x8080] =	vst v63  }
0x27: {  	p1 =	sge.u32 s31, s5  }
.Ltmp2:
0x28: {  	_ = 	snop;
	(pc) =	sbr.rel @p1 .LBB1_5-.Ltmp2, $1  }
0x29: {  	_ =	sdelay $0x3  }
0x2a: {  	s14 =	simm.s32 $0x1  }
0x2b: {  	_ =	swait.ge [sflag:s4], $0x2000;
	s14 =	simm.s32 @!p0 $0x0  }
0x2c: {  	[sflag:s4] =	ssyncset.done $0x0;
	s15 =	sshll.u32 s14, $0xD  }
0x2d: {  	[sflag:s4] =	ssyncadd.s32 $0xFFFFE000;
	s18 =	sor.u32 $0x20, s15  }
0x2e: {  	s14 =	smul.u32 $0x8100, s14;
	v3 =	vld [tilespmem:s18+$0x10]  }
0x2f: {  	s30 =	sand.u32 $0x1, s11;
	v2 =	vld [tilespmem:s18+$0xFFFFFFF0]  }
0x30: {  	s15 =	smul.u32 $0x8100, s30;
	s14 =	sshrl.u32 s14, $0x2;
	v0 =	vld [tilespmem:s18+$0x0]  }
0x31: {  	v1 =	vld [tilespmem:s18+$0xFFFFFFE0];
	s16 =	sor.u32 $0x4000, s14  }
0x32: {  	s31 =	sshrl.u32 s15, $0x2;
	s15 =	sadd.s32 $0x0, s16  }
0x33: {  	s17 =	simm.s32 $0x4;
	s18 =	sadd.s32 $0x40, s18;
	s14 =	sor.u32 $0x4000, s31;
	[tilespmem:s15+$0x1830 ss:$0x81] =	vst.msk $0xffff, v3  }
.LBB1_3:
0x34: {  	v3 =	vld [tilespmem:s18+$0x10];
	p1 =	sne.s32 s17, $0x1FC;
	[tilespmem:s15+$0x810 ss:$0x81] =	vst.msk $0xffff, v2;
	s19 =	smov.u32 s17;
	s17 =	sadd.s32 $0x4, s17  }
.Ltmp3:
0x35: {  	v2 =	vld [tilespmem:s18+$0xFFFFFFF0];
	[tilespmem:s15+$0x1020 ss:$0x81] =	vst.msk $0xffff, v0;
	(pc) =	sbr.rel @p1 .LBB1_3-.Ltmp3, $4  }
0x36: {  	v0 =	vld [tilespmem:s18+$0x0];
	[tilespmem:s15+$0x0 ss:$0x81] =	vst.msk $0xffff, v1  }
0x37: {  	s15 =	sshra.s32 s19, $0x2;
	v1 =	vld [tilespmem:s18+$0xFFFFFFE0]  }
0x38: {  	s15 =	sadd.s32 s15, s16  }
0x39: {  	s18 =	sadd.s32 $0x40, s18;
	[tilespmem:s15+$0x1830 ss:$0x81] =	vst.msk $0xffff, v3  }
.Ltmp4:
0x3a: {  	_ = 	snop;
	(pc) =	sbr.rel .LBB1_4-.Ltmp4, $1  }
0x3b: {  	_ =	sdelay $0x3  }
.LBB1_6:
0x3c: {  	_ =	sfence.sel $0x180000  }
0x3d: {  	s2 =	simm.s32 $0x1;
	[bflag:$0x0] =	sbarrier.arrive $0xFFFF  }
0x3e: {  	s31 =	simm.s32 $0x2;
	[sflag:s2] =	ssyncpa.u1 $0x1  }
0x3f: {  	[sflag:s31] =	ssyncpa.u1 $0x1  }
0x40: {  	p0 =	sne.s32 s0, $0x0;
	_ =	strace $0x9000004A  }
0x41: {  	s0 =	sadd.s32 @!p0 $0x100000, s1;
	[bflag:$0x2] =	sbarrier.arrive $0xFFFF  }
0x42: {  	[sflag:s0] =	ssyncadd.tile.s32 @!p0 $0x1;
	_ =	shalt  }
.Lfunc_end1:
_tile_overlayer_lowered:
.L_overlay_start_2:
0x43: {  	(tag) =	ssettag $0x2  }
0x44: {  	s0 =	rddreg [dreg:$0x0];
	s2 =	stileid.u32  }
0x45: {  	s1 =	rddreg [dreg:$0x1];
	p0 =	sne.s32 s2, $0x0  }
0x46: {  	s3 =	rddreg [dreg:$0x2];
	[bflag:$0x3] =	sbarrier.arrive $0xFFFF;
	s2 =	simm.s32 @!p0 $0x1C01  }
0x47: {  	[timem:s3], [sflag:s2] =	dma.local @!p0 [hbm:s0], s1  }
0x48: {  	s0 =	simm.s32 @!p0 $0x1  }
0x49: {  	_ =	swait.ge @!p0 [sflag:s0], s1  }
0x4a: {  	s1 =	ssub.s32 @!p0 $0x0, s1;
	[sflag:s0] =	ssyncset.done @!p0 $0x0  }
0x4b: {  	[sflag:s0] =	ssyncadd.s32 @!p0 s1  }
0x4c: {  	[bflag:$0x3] =	sbarrier.arrive $0xFFFF  }
0x4d: {  	_ =	shalt  }

</sc_bundles>
